<compile_context>
chip_gen: v7x
topology: tpu7x:2x2x1
jax: 0.10.2.dev20260603
libtpu: 0.0.44.dev20260713+nightly
codegen_flags: <defaults>
</compile_context>

<pallas_src>
import jax
import jax.numpy as jnp
from jax import lax
from jax.experimental import pallas as pl
from jax.experimental.pallas import tpu as pltpu
from jax.experimental.pallas import tpu_sc as plsc

NC = 2
NS = 16

BATCH = 4096
HIST = 200
VOCAB = 1000
D = 64
N_IDX = BATCH * HIST
N_PER_SC = N_IDX // NC

R_ROWS = 6400
N_ROUNDS = N_PER_SC // R_ROWS
T_ROWS = R_ROWS // NS
NBUF = 3


def _body(tokens_hbm, table_hbm, out_hbm, idx_v, local_v, shared,
          isem, gsem, csem, wsem):
    c = lax.axis_index("c")
    s = lax.axis_index("s")

    def idxload(r):
        return pltpu.make_async_copy(
            tokens_hbm.at[c, r, s],
            idx_v.at[lax.rem(r, 3)],
            isem.at[lax.rem(r, 3)],
        )

    def gather(r):
        return pltpu.make_async_copy(
            table_hbm.at[idx_v.at[lax.rem(r, 3)]],
            local_v.at[lax.rem(r, 2)],
            gsem.at[lax.rem(r, 2)],
        )

    def copy(r):
        return pltpu.make_async_copy(
            local_v.at[lax.rem(r, 2)],
            shared.at[lax.rem(r, NBUF), pl.ds(s * T_ROWS, T_ROWS)],
            csem,
        )

    def write(r):
        return pltpu.make_async_copy(
            shared.at[lax.rem(r, NBUF)],
            out_hbm.at[pl.ds((c * N_ROUNDS + r) * R_ROWS, R_ROWS)],
            wsem,
        )

    idxload(0).start()
    idxload(1).start()
    idxload(2).start()
    idxload(0).wait()
    gather(0).start()
    idxload(1).wait()
    gather(1).start()
    gather(0).wait()
    copy(0).start()

    @pl.loop(0, N_ROUNDS)
    def _round(r):
        @pl.when(jnp.logical_and(r >= NBUF - 1,
                                 s == lax.rem(r - (NBUF - 1), NS)))
        def _():
            write(r - (NBUF - 1)).wait()

        copy(r).wait()
        plsc.subcore_barrier()

        @pl.when(s == lax.rem(r, NS))
        def _():
            write(r).start()

        @pl.when(r + 3 < N_ROUNDS)
        def _():
            idxload(r + 3).start()

        @pl.when(r + 2 < N_ROUNDS)
        def _():
            idxload(r + 2).wait()
            gather(r + 2).start()

        @pl.when(r + 1 < N_ROUNDS)
        def _():
            gather(r + 1).wait()
            copy(r + 1).start()

    for r in range(N_ROUNDS - (NBUF - 1), N_ROUNDS):
        @pl.when(s == lax.rem(jnp.int32(r), NS))
        def _():
            write(r).wait()


def kernel(tokens, table):
    idx4 = tokens.reshape(NC, N_ROUNDS, NS, T_ROWS)
    mesh = plsc.VectorSubcoreMesh(core_axis_name="c", subcore_axis_name="s")
    out = pl.kernel(
        _body,
        out_type=jax.ShapeDtypeStruct((N_IDX, D), jnp.float32),
        mesh=mesh,
        compiler_params=pltpu.CompilerParams(use_tc_tiling_on_sc=False),
        scratch_types=[
            pltpu.VMEM((3, T_ROWS), jnp.int32),
            pltpu.VMEM((2, T_ROWS, D), jnp.float32),
            pltpu.VMEM_SHARED((NBUF, R_ROWS, D), jnp.float32),
            pltpu.SemaphoreType.DMA((3,)),
            pltpu.SemaphoreType.DMA((2,)),
            pltpu.SemaphoreType.DMA,
            pltpu.SemaphoreType.DMA,
        ],
    )(idx4, table)
    return out.reshape(BATCH, HIST, D)

# --- scband reference (transcript-rebuilt; emitter-appended) ---
"""Pipeline reference for scband-decoder-54580444397759 (READ-ONLY COPY).

The authoritative reference and input builder live on the scoring server;
editing this copy changes nothing except your own understanding.
"""

import jax, jax.numpy as jnp
import numpy as np

PAD_IDX = 0
VOCAB = 1000
EMBED_DIM = 64
BATCH = 4096
HIST = 200


def setup_inputs(seed: int = 0) -> dict:
    key = jax.random.key(seed)
    k1, k2 = jax.random.split(key)
    tokens = jax.random.randint(k1, (BATCH, HIST), 0, VOCAB, dtype=jnp.int32)
    # embedding table, initialized normal(0, embed_dim**-0.5), pad row zeroed
    table = jax.random.normal(k2, (VOCAB, EMBED_DIM), dtype=jnp.float32) * (EMBED_DIM ** -0.5)
    table = table.at[PAD_IDX].set(0.0)
    return {"tokens": tokens, "table": table}


def reference(tokens, table):
    # Decoder forward: x = self.embed_tokens(tokens); x = self.dropout(x)
    # dropout p=0 -> identity at inference
    t = table.at[PAD_IDX].set(0.0)  # enforce padding_idx semantics
    x = jnp.take(t, tokens, axis=0)
    return x

if __name__ == "__main__":
    import jax
    _d = setup_inputs()
    print(jax.jit(kernel)(*tuple(_d.values())))

</pallas_src>

<mosaic_0001>
#map = affine_map<(d0, d1) -> (0, 0, 0, 0)>
#map1 = affine_map<(d0, d1) -> (0, 0)>
module attributes {stable_mosaic.version = 14 : i64} {
  func.func @_body(%arg0: i32, %arg1: i32, %arg2: memref<2x64x16x400xi32, #tpu.memory_space<hbm>>, %arg3: memref<1000x64xf32, #tpu.memory_space<hbm>>, %arg4: memref<819200x64xf32, #tpu.memory_space<hbm>>, %arg5: memref<3x400xi32, #tpu.memory_space<vmem>>, %arg6: memref<2x400x64xf32, #tpu.memory_space<vmem>>, %arg7: memref<3x6400x64xf32, #tpu.memory_space<vmem_shared>>, %arg8: memref<3x!tpu.dma_semaphore, #tpu.memory_space<semaphore_mem>>, %arg9: memref<2x!tpu.dma_semaphore, #tpu.memory_space<semaphore_mem>>, %arg10: memref<!tpu.dma_semaphore, #tpu.memory_space<semaphore_mem>>, %arg11: memref<!tpu.dma_semaphore, #tpu.memory_space<semaphore_mem>>) attributes {dimension_semantics = [#tpu.dimension_semantics<core_parallel>, #tpu.dimension_semantics<subcore_parallel>], iteration_bounds = array<i64: 2, 16>, scalar_prefetch = 0 : i64, scratch_operands = 7 : i64, tpu.core_type = #tpu.core_type<sc_vector_subcore>, window_params = [{transform_indices = #map}, {transform_indices = #map1}, {transform_indices = #map1}]} {
    %rem3A = arith.constant 0 : i32
    %rem3A_0 = arith.constant 3 : i32
    %rem3A_1 = arith.remsi %rem3A, %rem3A_0 : i32
    %rem3A_2 = arith.constant 0 : i32
    %rem3A_3 = arith.constant 3 : i32
    %rem3A_4 = arith.remsi %rem3A_2, %rem3A_3 : i32
    %dma_start3A = arith.constant 0 : i32
    %dma_start3A_5 = arith.constant 0 : i32
    %dma_start3A_6 = tpu.memref_slice %arg5[%rem3A_1, %dma_start3A_5] : memref<3x400xi32, #tpu.memory_space<vmem>> -> memref<1x400xi32, #tpu.memory_space<vmem>>
    %dma_start3A_7 = tpu.memref_squeeze %dma_start3A_6 : memref<1x400xi32, #tpu.memory_space<vmem>> -> memref<400xi32, #tpu.memory_space<vmem>>
    %dma_start3A_8 = arith.constant 0 : i32
    %dma_start3A_9 = tpu.memref_slice %arg2[%arg0, %dma_start3A, %arg1, %dma_start3A_8] : memref<2x64x16x400xi32, #tpu.memory_space<hbm>> -> memref<1x1x1x400xi32, #tpu.memory_space<hbm>>
    %dma_start3A_10 = tpu.memref_squeeze %dma_start3A_9 : memref<1x1x1x400xi32, #tpu.memory_space<hbm>> -> memref<400xi32, #tpu.memory_space<hbm>>
    %dma_start3A_11 = tpu.memref_slice %arg8[%rem3A_4] : memref<3x!tpu.dma_semaphore, #tpu.memory_space<semaphore_mem>> -> memref<1x!tpu.dma_semaphore, #tpu.memory_space<semaphore_mem>>
    %dma_start3A_12 = tpu.memref_squeeze %dma_start3A_11 : memref<1x!tpu.dma_semaphore, #tpu.memory_space<semaphore_mem>> -> memref<!tpu.dma_semaphore, #tpu.memory_space<semaphore_mem>>
    %dma_start3A_13 = arith.constant 0 : i32
    %dma_start3A_14 = tpu.memref_slice %arg5[%rem3A_1, %dma_start3A_13] : memref<3x400xi32, #tpu.memory_space<vmem>> -> memref<1x400xi32, #tpu.memory_space<vmem>>
    %dma_start3A_15 = tpu.memref_squeeze %dma_start3A_14 : memref<1x400xi32, #tpu.memory_space<vmem>> -> memref<400xi32, #tpu.memory_space<vmem>>
    %dma_start3A_16 = arith.constant 0 : i32
    %dma_start3A_17 = tpu.memref_slice %arg2[%arg0, %dma_start3A, %arg1, %dma_start3A_16] : memref<2x64x16x400xi32, #tpu.memory_space<hbm>> -> memref<1x1x1x400xi32, #tpu.memory_space<hbm>>
    %dma_start3A_18 = tpu.memref_squeeze %dma_start3A_17 : memref<1x1x1x400xi32, #tpu.memory_space<hbm>> -> memref<400xi32, #tpu.memory_space<hbm>>
    tpu.enqueue_dma source(%dma_start3A_18 : memref<400xi32, #tpu.memory_space<hbm>>) target(%dma_start3A_15 : memref<400xi32, #tpu.memory_space<vmem>>) target_semaphore(%dma_start3A_12 : memref<!tpu.dma_semaphore, #tpu.memory_space<semaphore_mem>>)
    %rem3A_19 = arith.constant 1 : i32
    %rem3A_20 = arith.constant 3 : i32
    %rem3A_21 = arith.remsi %rem3A_19, %rem3A_20 : i32
    %rem3A_22 = arith.constant 1 : i32
    %rem3A_23 = arith.constant 3 : i32
    %rem3A_24 = arith.remsi %rem3A_22, %rem3A_23 : i32
    %dma_start3A_25 = arith.constant 1 : i32
    %dma_start3A_26 = arith.constant 0 : i32
    %dma_start3A_27 = tpu.memref_slice %arg5[%rem3A_21, %dma_start3A_26] : memref<3x400xi32, #tpu.memory_space<vmem>> -> memref<1x400xi32, #tpu.memory_space<vmem>>
    %dma_start3A_28 = tpu.memref_squeeze %dma_start3A_27 : memref<1x400xi32, #tpu.memory_space<vmem>> -> memref<400xi32, #tpu.memory_space<vmem>>
    %dma_start3A_29 = arith.constant 0 : i32
    %dma_start3A_30 = tpu.memref_slice %arg2[%arg0, %dma_start3A_25, %arg1, %dma_start3A_29] : memref<2x64x16x400xi32, #tpu.memory_space<hbm>> -> memref<1x1x1x400xi32, #tpu.memory_space<hbm>>
    %dma_start3A_31 = tpu.memref_squeeze %dma_start3A_30 : memref<1x1x1x400xi32, #tpu.memory_space<hbm>> -> memref<400xi32, #tpu.memory_space<hbm>>
    %dma_start3A_32 = tpu.memref_slice %arg8[%rem3A_24] : memref<3x!tpu.dma_semaphore, #tpu.memory_space<semaphore_mem>> -> memref<1x!tpu.dma_semaphore, #tpu.memory_space<semaphore_mem>>
    %dma_start3A_33 = tpu.memref_squeeze %dma_start3A_32 : memref<1x!tpu.dma_semaphore, #tpu.memory_space<semaphore_mem>> -> memref<!tpu.dma_semaphore, #tpu.memory_space<semaphore_mem>>
    %dma_start3A_34 = arith.constant 0 : i32
    %dma_start3A_35 = tpu.memref_slice %arg5[%rem3A_21, %dma_start3A_34] : memref<3x400xi32, #tpu.memory_space<vmem>> -> memref<1x400xi32, #tpu.memory_space<vmem>>
    %dma_start3A_36 = tpu.memref_squeeze %dma_start3A_35 : memref<1x400xi32, #tpu.memory_space<vmem>> -> memref<400xi32, #tpu.memory_space<vmem>>
    %dma_start3A_37 = arith.constant 0 : i32
    %dma_start3A_38 = tpu.memref_slice %arg2[%arg0, %dma_start3A_25, %arg1, %dma_start3A_37] : memref<2x64x16x400xi32, #tpu.memory_space<hbm>> -> memref<1x1x1x400xi32, #tpu.memory_space<hbm>>
    %dma_start3A_39 = tpu.memref_squeeze %dma_start3A_38 : memref<1x1x1x400xi32, #tpu.memory_space<hbm>> -> memref<400xi32, #tpu.memory_space<hbm>>
    tpu.enqueue_dma source(%dma_start3A_39 : memref<400xi32, #tpu.memory_space<hbm>>) target(%dma_start3A_36 : memref<400xi32, #tpu.memory_space<vmem>>) target_semaphore(%dma_start3A_33 : memref<!tpu.dma_semaphore, #tpu.memory_space<semaphore_mem>>)
    %rem3A_40 = arith.constant 2 : i32
    %rem3A_41 = arith.constant 3 : i32
    %rem3A_42 = arith.remsi %rem3A_40, %rem3A_41 : i32
    %rem3A_43 = arith.constant 2 : i32
    %rem3A_44 = arith.constant 3 : i32
    %rem3A_45 = arith.remsi %rem3A_43, %rem3A_44 : i32
    %dma_start3A_46 = arith.constant 2 : i32
    %dma_start3A_47 = arith.constant 0 : i32
    %dma_start3A_48 = tpu.memref_slice %arg5[%rem3A_42, %dma_start3A_47] : memref<3x400xi32, #tpu.memory_space<vmem>> -> memref<1x400xi32, #tpu.memory_space<vmem>>
    %dma_start3A_49 = tpu.memref_squeeze %dma_start3A_48 : memref<1x400xi32, #tpu.memory_space<vmem>> -> memref<400xi32, #tpu.memory_space<vmem>>
    %dma_start3A_50 = arith.constant 0 : i32
    %dma_start3A_51 = tpu.memref_slice %arg2[%arg0, %dma_start3A_46, %arg1, %dma_start3A_50] : memref<2x64x16x400xi32, #tpu.memory_space<hbm>> -> memref<1x1x1x400xi32, #tpu.memory_space<hbm>>
    %dma_start3A_52 = tpu.memref_squeeze %dma_start3A_51 : memref<1x1x1x400xi32, #tpu.memory_space<hbm>> -> memref<400xi32, #tpu.memory_space<hbm>>
    %dma_start3A_53 = tpu.memref_slice %arg8[%rem3A_45] : memref<3x!tpu.dma_semaphore, #tpu.memory_space<semaphore_mem>> -> memref<1x!tpu.dma_semaphore, #tpu.memory_space<semaphore_mem>>
    %dma_start3A_54 = tpu.memref_squeeze %dma_start3A_53 : memref<1x!tpu.dma_semaphore, #tpu.memory_space<semaphore_mem>> -> memref<!tpu.dma_semaphore, #tpu.memory_space<semaphore_mem>>
    %dma_start3A_55 = arith.constant 0 : i32
    %dma_start3A_56 = tpu.memref_slice %arg5[%rem3A_42, %dma_start3A_55] : memref<3x400xi32, #tpu.memory_space<vmem>> -> memref<1x400xi32, #tpu.memory_space<vmem>>
    %dma_start3A_57 = tpu.memref_squeeze %dma_start3A_56 : memref<1x400xi32, #tpu.memory_space<vmem>> -> memref<400xi32, #tpu.memory_space<vmem>>
    %dma_start3A_58 = arith.constant 0 : i32
    %dma_start3A_59 = tpu.memref_slice %arg2[%arg0, %dma_start3A_46, %arg1, %dma_start3A_58] : memref<2x64x16x400xi32, #tpu.memory_space<hbm>> -> memref<1x1x1x400xi32, #tpu.memory_space<hbm>>
    %dma_start3A_60 = tpu.memref_squeeze %dma_start3A_59 : memref<1x1x1x400xi32, #tpu.memory_space<hbm>> -> memref<400xi32, #tpu.memory_space<hbm>>
    tpu.enqueue_dma source(%dma_start3A_60 : memref<400xi32, #tpu.memory_space<hbm>>) target(%dma_start3A_57 : memref<400xi32, #tpu.memory_space<vmem>>) target_semaphore(%dma_start3A_54 : memref<!tpu.dma_semaphore, #tpu.memory_space<semaphore_mem>>)
    %rem3A_61 = arith.constant 0 : i32
    %rem3A_62 = arith.constant 3 : i32
    %rem3A_63 = arith.remsi %rem3A_61, %rem3A_62 : i32
    %rem3A_64 = arith.constant 0 : i32
    %rem3A_65 = arith.constant 3 : i32
    %rem3A_66 = arith.remsi %rem3A_64, %rem3A_65 : i32
    %dma_wait3A = arith.constant 0 : i32
    %dma_wait3A_67 = arith.constant 0 : i32
    %dma_wait3A_68 = tpu.memref_slice %arg5[%rem3A_63, %dma_wait3A_67] : memref<3x400xi32, #tpu.memory_space<vmem>> -> memref<1x400xi32, #tpu.memory_space<vmem>>
    %dma_wait3A_69 = tpu.memref_squeeze %dma_wait3A_68 : memref<1x400xi32, #tpu.memory_space<vmem>> -> memref<400xi32, #tpu.memory_space<vmem>>
    %dma_wait3A_70 = arith.constant 0 : i32
    %dma_wait3A_71 = tpu.memref_slice %arg2[%arg0, %dma_wait3A, %arg1, %dma_wait3A_70] : memref<2x64x16x400xi32, #tpu.memory_space<hbm>> -> memref<1x1x1x400xi32, #tpu.memory_space<hbm>>
    %dma_wait3A_72 = tpu.memref_squeeze %dma_wait3A_71 : memref<1x1x1x400xi32, #tpu.memory_space<hbm>> -> memref<400xi32, #tpu.memory_space<hbm>>
    %dma_wait3A_73 = tpu.memref_slice %arg8[%rem3A_66] : memref<3x!tpu.dma_semaphore, #tpu.memory_space<semaphore_mem>> -> memref<1x!tpu.dma_semaphore, #tpu.memory_space<semaphore_mem>>
    %dma_wait3A_74 = tpu.memref_squeeze %dma_wait3A_73 : memref<1x!tpu.dma_semaphore, #tpu.memory_space<semaphore_mem>> -> memref<!tpu.dma_semaphore, #tpu.memory_space<semaphore_mem>>
    %dma_wait3A_75 = arith.constant 0 : i32
    %dma_wait3A_76 = tpu.memref_slice %arg5[%rem3A_63, %dma_wait3A_75] : memref<3x400xi32, #tpu.memory_space<vmem>> -> memref<1x400xi32, #tpu.memory_space<vmem>>
    %dma_wait3A_77 = tpu.memref_squeeze %dma_wait3A_76 : memref<1x400xi32, #tpu.memory_space<vmem>> -> memref<400xi32, #tpu.memory_space<vmem>>
    %dma_wait3A_78 = arith.constant 0 : i32
    %dma_wait3A_79 = tpu.memref_slice %arg2[%arg0, %dma_wait3A, %arg1, %dma_wait3A_78] : memref<2x64x16x400xi32, #tpu.memory_space<hbm>> -> memref<1x1x1x400xi32, #tpu.memory_space<hbm>>
    %dma_wait3A_80 = tpu.memref_squeeze %dma_wait3A_79 : memref<1x1x1x400xi32, #tpu.memory_space<hbm>> -> memref<400xi32, #tpu.memory_space<hbm>>
    tpu.wait_dma2 semaphore(%dma_wait3A_74 : memref<!tpu.dma_semaphore, #tpu.memory_space<semaphore_mem>>) src(%dma_wait3A_80 : memref<400xi32, #tpu.memory_space<hbm>>) dst(%dma_wait3A_77 : memref<400xi32, #tpu.memory_space<vmem>>)
    %rem3A_81 = arith.constant 0 : i32
    %rem3A_82 = arith.constant 3 : i32
    %rem3A_83 = arith.remsi %rem3A_81, %rem3A_82 : i32
    %rem3A_84 = arith.constant 0 : i32
    %rem3A_85 = arith.constant 2 : i32
    %rem3A_86 = arith.remsi %rem3A_84, %rem3A_85 : i32
    %rem3A_87 = arith.constant 0 : i32
    %rem3A_88 = arith.constant 2 : i32
    %rem3A_89 = arith.remsi %rem3A_87, %rem3A_88 : i32
    %dma_start3A_90 = arith.constant 0 : i32
    %dma_start3A_91 = arith.constant 0 : i32
    %dma_start3A_92 = tpu.memref_slice %arg6[%rem3A_86, %dma_start3A_90, %dma_start3A_91] : memref<2x400x64xf32, #tpu.memory_space<vmem>> -> memref<1x400x64xf32, #tpu.memory_space<vmem>>
    %dma_start3A_93 = tpu.memref_squeeze %dma_start3A_92 : memref<1x400x64xf32, #tpu.memory_space<vmem>> -> memref<400x64xf32, #tpu.memory_space<vmem>>
    %dma_start3A_94 = arith.constant 0 : i32
    %dma_start3A_95 = tpu.memref_slice %arg5[%rem3A_83, %dma_start3A_94] : memref<3x400xi32, #tpu.memory_space<vmem>> -> memref<1x400xi32, #tpu.memory_space<vmem>>
    %dma_start3A_96 = tpu.memref_squeeze %dma_start3A_95 : memref<1x400xi32, #tpu.memory_space<vmem>> -> memref<400xi32, #tpu.memory_space<vmem>>
    %dma_start3A_97 = arith.constant 0 : i32
    %dma_start3A_98 = arith.constant 0 : i32
    %dma_start3A_99 = tpu.memref_slice %arg3[%dma_start3A_97, %dma_start3A_98] : memref<1000x64xf32, #tpu.memory_space<hbm>> -> memref<1000x64xf32, #tpu.memory_space<hbm>>
    %dma_start3A_100 = tpu.memref_slice %arg9[%rem3A_89] : memref<2x!tpu.dma_semaphore, #tpu.memory_space<semaphore_mem>> -> memref<1x!tpu.dma_semaphore, #tpu.memory_space<semaphore_mem>>
    %dma_start3A_101 = tpu.memref_squeeze %dma_start3A_100 : memref<1x!tpu.dma_semaphore, #tpu.memory_space<semaphore_mem>> -> memref<!tpu.dma_semaphore, #tpu.memory_space<semaphore_mem>>
    tpu.enqueue_indirect_dma source(%dma_start3A_99 : memref<1000x64xf32, #tpu.memory_space<hbm>>) target(%dma_start3A_93 : memref<400x64xf32, #tpu.memory_space<vmem>>) offsets(%dma_start3A_96 : memref<400xi32, #tpu.memory_space<vmem>>) semaphore(%dma_start3A_101 : memref<!tpu.dma_semaphore, #tpu.memory_space<semaphore_mem>>)
    %rem3A_102 = arith.constant 1 : i32
    %rem3A_103 = arith.constant 3 : i32
    %rem3A_104 = arith.remsi %rem3A_102, %rem3A_103 : i32
    %rem3A_105 = arith.constant 1 : i32
    %rem3A_106 = arith.constant 3 : i32
    %rem3A_107 = arith.remsi %rem3A_105, %rem3A_106 : i32
    %dma_wait3A_108 = arith.constant 1 : i32
    %dma_wait3A_109 = arith.constant 0 : i32
    %dma_wait3A_110 = tpu.memref_slice %arg5[%rem3A_104, %dma_wait3A_109] : memref<3x400xi32, #tpu.memory_space<vmem>> -> memref<1x400xi32, #tpu.memory_space<vmem>>
    %dma_wait3A_111 = tpu.memref_squeeze %dma_wait3A_110 : memref<1x400xi32, #tpu.memory_space<vmem>> -> memref<400xi32, #tpu.memory_space<vmem>>
    %dma_wait3A_112 = arith.constant 0 : i32
    %dma_wait3A_113 = tpu.memref_slice %arg2[%arg0, %dma_wait3A_108, %arg1, %dma_wait3A_112] : memref<2x64x16x400xi32, #tpu.memory_space<hbm>> -> memref<1x1x1x400xi32, #tpu.memory_space<hbm>>
    %dma_wait3A_114 = tpu.memref_squeeze %dma_wait3A_113 : memref<1x1x1x400xi32, #tpu.memory_space<hbm>> -> memref<400xi32, #tpu.memory_space<hbm>>
    %dma_wait3A_115 = tpu.memref_slice %arg8[%rem3A_107] : memref<3x!tpu.dma_semaphore, #tpu.memory_space<semaphore_mem>> -> memref<1x!tpu.dma_semaphore, #tpu.memory_space<semaphore_mem>>
    %dma_wait3A_116 = tpu.memref_squeeze %dma_wait3A_115 : memref<1x!tpu.dma_semaphore, #tpu.memory_space<semaphore_mem>> -> memref<!tpu.dma_semaphore, #tpu.memory_space<semaphore_mem>>
    %dma_wait3A_117 = arith.constant 0 : i32
    %dma_wait3A_118 = tpu.memref_slice %arg5[%rem3A_104, %dma_wait3A_117] : memref<3x400xi32, #tpu.memory_space<vmem>> -> memref<1x400xi32, #tpu.memory_space<vmem>>
    %dma_wait3A_119 = tpu.memref_squeeze %dma_wait3A_118 : memref<1x400xi32, #tpu.memory_space<vmem>> -> memref<400xi32, #tpu.memory_space<vmem>>
    %dma_wait3A_120 = arith.constant 0 : i32
    %dma_wait3A_121 = tpu.memref_slice %arg2[%arg0, %dma_wait3A_108, %arg1, %dma_wait3A_120] : memref<2x64x16x400xi32, #tpu.memory_space<hbm>> -> memref<1x1x1x400xi32, #tpu.memory_space<hbm>>
    %dma_wait3A_122 = tpu.memref_squeeze %dma_wait3A_121 : memref<1x1x1x400xi32, #tpu.memory_space<hbm>> -> memref<400xi32, #tpu.memory_space<hbm>>
    tpu.wait_dma2 semaphore(%dma_wait3A_116 : memref<!tpu.dma_semaphore, #tpu.memory_space<semaphore_mem>>) src(%dma_wait3A_122 : memref<400xi32, #tpu.memory_space<hbm>>) dst(%dma_wait3A_119 : memref<400xi32, #tpu.memory_space<vmem>>)
    %rem3A_123 = arith.constant 1 : i32
    %rem3A_124 = arith.constant 3 : i32
    %rem3A_125 = arith.remsi %rem3A_123, %rem3A_124 : i32
    %rem3A_126 = arith.constant 1 : i32
    %rem3A_127 = arith.constant 2 : i32
    %rem3A_128 = arith.remsi %rem3A_126, %rem3A_127 : i32
    %rem3A_129 = arith.constant 1 : i32
    %rem3A_130 = arith.constant 2 : i32
    %rem3A_131 = arith.remsi %rem3A_129, %rem3A_130 : i32
    %dma_start3A_132 = arith.constant 0 : i32
    %dma_start3A_133 = arith.constant 0 : i32
    %dma_start3A_134 = tpu.memref_slice %arg6[%rem3A_128, %dma_start3A_132, %dma_start3A_133] : memref<2x400x64xf32, #tpu.memory_space<vmem>> -> memref<1x400x64xf32, #tpu.memory_space<vmem>>
    %dma_start3A_135 = tpu.memref_squeeze %dma_start3A_134 : memref<1x400x64xf32, #tpu.memory_space<vmem>> -> memref<400x64xf32, #tpu.memory_space<vmem>>
    %dma_start3A_136 = arith.constant 0 : i32
    %dma_start3A_137 = tpu.memref_slice %arg5[%rem3A_125, %dma_start3A_136] : memref<3x400xi32, #tpu.memory_space<vmem>> -> memref<1x400xi32, #tpu.memory_space<vmem>>
    %dma_start3A_138 = tpu.memref_squeeze %dma_start3A_137 : memref<1x400xi32, #tpu.memory_space<vmem>> -> memref<400xi32, #tpu.memory_space<vmem>>
    %dma_start3A_139 = arith.constant 0 : i32
    %dma_start3A_140 = arith.constant 0 : i32
    %dma_start3A_141 = tpu.memref_slice %arg3[%dma_start3A_139, %dma_start3A_140] : memref<1000x64xf32, #tpu.memory_space<hbm>> -> memref<1000x64xf32, #tpu.memory_space<hbm>>
    %dma_start3A_142 = tpu.memref_slice %arg9[%rem3A_131] : memref<2x!tpu.dma_semaphore, #tpu.memory_space<semaphore_mem>> -> memref<1x!tpu.dma_semaphore, #tpu.memory_space<semaphore_mem>>
    %dma_start3A_143 = tpu.memref_squeeze %dma_start3A_142 : memref<1x!tpu.dma_semaphore, #tpu.memory_space<semaphore_mem>> -> memref<!tpu.dma_semaphore, #tpu.memory_space<semaphore_mem>>
    tpu.enqueue_indirect_dma source(%dma_start3A_141 : memref<1000x64xf32, #tpu.memory_space<hbm>>) target(%dma_start3A_135 : memref<400x64xf32, #tpu.memory_space<vmem>>) offsets(%dma_start3A_138 : memref<400xi32, #tpu.memory_space<vmem>>) semaphore(%dma_start3A_143 : memref<!tpu.dma_semaphore, #tpu.memory_space<semaphore_mem>>)
    %rem3A_144 = arith.constant 0 : i32
    %rem3A_145 = arith.constant 3 : i32
    %rem3A_146 = arith.remsi %rem3A_144, %rem3A_145 : i32
    %rem3A_147 = arith.constant 0 : i32
    %rem3A_148 = arith.constant 2 : i32
    %rem3A_149 = arith.remsi %rem3A_147, %rem3A_148 : i32
    %rem3A_150 = arith.constant 0 : i32
    %rem3A_151 = arith.constant 2 : i32
    %rem3A_152 = arith.remsi %rem3A_150, %rem3A_151 : i32
    %dma_wait3A_153 = arith.constant 0 : i32
    %dma_wait3A_154 = arith.constant 0 : i32
    %dma_wait3A_155 = tpu.memref_slice %arg6[%rem3A_149, %dma_wait3A_153, %dma_wait3A_154] : memref<2x400x64xf32, #tpu.memory_space<vmem>> -> memref<1x400x64xf32, #tpu.memory_space<vmem>>
    %dma_wait3A_156 = tpu.memref_squeeze %dma_wait3A_155 : memref<1x400x64xf32, #tpu.memory_space<vmem>> -> memref<400x64xf32, #tpu.memory_space<vmem>>
    %dma_wait3A_157 = arith.constant 0 : i32
    %dma_wait3A_158 = tpu.memref_slice %arg5[%rem3A_146, %dma_wait3A_157] : memref<3x400xi32, #tpu.memory_space<vmem>> -> memref<1x400xi32, #tpu.memory_space<vmem>>
    %dma_wait3A_159 = tpu.memref_squeeze %dma_wait3A_158 : memref<1x400xi32, #tpu.memory_space<vmem>> -> memref<400xi32, #tpu.memory_space<vmem>>
    %dma_wait3A_160 = arith.constant 0 : i32
    %dma_wait3A_161 = arith.constant 0 : i32
    %dma_wait3A_162 = tpu.memref_slice %arg3[%dma_wait3A_160, %dma_wait3A_161] : memref<1000x64xf32, #tpu.memory_space<hbm>> -> memref<1000x64xf32, #tpu.memory_space<hbm>>
    %dma_wait3A_163 = tpu.memref_slice %arg9[%rem3A_152] : memref<2x!tpu.dma_semaphore, #tpu.memory_space<semaphore_mem>> -> memref<1x!tpu.dma_semaphore, #tpu.memory_space<semaphore_mem>>
    %dma_wait3A_164 = tpu.memref_squeeze %dma_wait3A_163 : memref<1x!tpu.dma_semaphore, #tpu.memory_space<semaphore_mem>> -> memref<!tpu.dma_semaphore, #tpu.memory_space<semaphore_mem>>
    tpu.wait_indirect_dma semaphore(%dma_wait3A_164 : memref<!tpu.dma_semaphore, #tpu.memory_space<semaphore_mem>>) src(%dma_wait3A_162 : memref<1000x64xf32, #tpu.memory_space<hbm>>) dst(%dma_wait3A_156 : memref<400x64xf32, #tpu.memory_space<vmem>>)
    %rem3A_165 = arith.constant 0 : i32
    %rem3A_166 = arith.constant 2 : i32
    %rem3A_167 = arith.remsi %rem3A_165, %rem3A_166 : i32
    %rem3A_168 = arith.constant 0 : i32
    %rem3A_169 = arith.constant 3 : i32
    %rem3A_170 = arith.remsi %rem3A_168, %rem3A_169 : i32
    %mul3A = arith.constant 400 : i32
    %mul3A_171 = arith.muli %arg1, %mul3A : i32
    %dma_start3A_172 = arith.constant 0 : i32
    %dma_start3A_173 = arith.constant 0 : i32
    %dma_start3A_174 = tpu.memref_slice %arg6[%rem3A_167, %dma_start3A_172, %dma_start3A_173] : memref<2x400x64xf32, #tpu.memory_space<vmem>> -> memref<1x400x64xf32, #tpu.memory_space<vmem>>
    %dma_start3A_175 = tpu.memref_squeeze %dma_start3A_174 : memref<1x400x64xf32, #tpu.memory_space<vmem>> -> memref<400x64xf32, #tpu.memory_space<vmem>>
    %dma_start3A_176 = arith.constant 0 : i32
    %dma_start3A_177 = tpu.memref_slice %arg7[%rem3A_170, %mul3A_171, %dma_start3A_176] : memref<3x6400x64xf32, #tpu.memory_space<vmem_shared>> -> memref<1x400x64xf32, #tpu.memory_space<vmem_shared>>
    %dma_start3A_178 = tpu.memref_squeeze %dma_start3A_177 : memref<1x400x64xf32, #tpu.memory_space<vmem_shared>> -> memref<400x64xf32, #tpu.memory_space<vmem_shared>>
    %dma_start3A_179 = arith.constant 0 : i32
    %dma_start3A_180 = tpu.memref_slice %arg7[%rem3A_170, %mul3A_171, %dma_start3A_179] : memref<3x6400x64xf32, #tpu.memory_space<vmem_shared>> -> memref<1x400x64xf32, #tpu.memory_space<vmem_shared>>
    %dma_start3A_181 = tpu.memref_squeeze %dma_start3A_180 : memref<1x400x64xf32, #tpu.memory_space<vmem_shared>> -> memref<400x64xf32, #tpu.memory_space<vmem_shared>>
    %dma_start3A_182 = arith.constant 0 : i32
    %dma_start3A_183 = arith.constant 0 : i32
    %dma_start3A_184 = tpu.memref_slice %arg6[%rem3A_167, %dma_start3A_182, %dma_start3A_183] : memref<2x400x64xf32, #tpu.memory_space<vmem>> -> memref<1x400x64xf32, #tpu.memory_space<vmem>>
    %dma_start3A_185 = tpu.memref_squeeze %dma_start3A_184 : memref<1x400x64xf32, #tpu.memory_space<vmem>> -> memref<400x64xf32, #tpu.memory_space<vmem>>
    tpu.enqueue_dma source(%dma_start3A_185 : memref<400x64xf32, #tpu.memory_space<vmem>>) target(%dma_start3A_181 : memref<400x64xf32, #tpu.memory_space<vmem_shared>>) target_semaphore(%arg10 : memref<!tpu.dma_semaphore, #tpu.memory_space<semaphore_mem>>)
    %scan3A = arith.constant 0 : i32
    %scan3A_186 = arith.constant 64 : i32
    %scan3A_187 = arith.addi %scan3A, %scan3A_186 : i32
    %scan3A_188 = arith.constant 1 : i32
    scf.for %scan3A_201 = %scan3A to %scan3A_187 step %scan3A_188  : i32 {
      %mul3A_202 = arith.constant 1 : i32
      %mul3A_203 = arith.muli %scan3A_201, %mul3A_202 : i32
      %add3A = arith.constant 0 : i32
      %add3A_204 = arith.addi %add3A, %mul3A_203 : i32
      %ge3A = arith.constant 2 : i32
      %ge3A_205 = arith.cmpi sge, %add3A_204, %ge3A : i32
      %sub3A = arith.constant 2 : i32
      %sub3A_206 = arith.subi %add3A_204, %sub3A : i32
      %rem3A_207 = arith.constant 16 : i32
      %rem3A_208 = arith.remsi %sub3A_206, %rem3A_207 : i32
      %eq3A_209 = arith.cmpi eq, %arg1, %rem3A_208 : i32
      %and3A = arith.andi %ge3A_205, %eq3A_209 : i1
      %convert_element_type3A_210 = arith.extui %and3A : i1 to i32
      %cond3A_211 = arith.constant 0 : i32
      %cond3A_212 = arith.cmpi ne, %convert_element_type3A_210, %cond3A_211 : i32
      scf.if %cond3A_212 {
        %sub3A_259 = arith.constant 2 : i32
        %sub3A_260 = arith.subi %add3A_204, %sub3A_259 : i32
        %rem3A_261 = arith.constant 3 : i32
        %rem3A_262 = arith.remsi %sub3A_260, %rem3A_261 : i32
        %mul3A_263 = arith.constant 64 : i32
        %mul3A_264 = arith.muli %arg0, %mul3A_263 : i32
        %add3A_265 = arith.addi %mul3A_264, %sub3A_260 : i32
        %mul3A_266 = arith.constant 6400 : i32
        %mul3A_267 = arith.muli %add3A_265, %mul3A_266 : i32
        %dma_wait3A_268 = arith.constant 0 : i32
        %dma_wait3A_269 = tpu.memref_slice %arg4[%mul3A_267, %dma_wait3A_268] : memref<819200x64xf32, #tpu.memory_space<hbm>> -> memref<6400x64xf32, #tpu.memory_space<hbm>>
        %dma_wait3A_270 = arith.constant 0 : i32
        %dma_wait3A_271 = arith.constant 0 : i32
        %dma_wait3A_272 = tpu.memref_slice %arg7[%rem3A_262, %dma_wait3A_270, %dma_wait3A_271] : memref<3x6400x64xf32, #tpu.memory_space<vmem_shared>> -> memref<1x6400x64xf32, #tpu.memory_space<vmem_shared>>
        %dma_wait3A_273 = tpu.memref_squeeze %dma_wait3A_272 : memref<1x6400x64xf32, #tpu.memory_space<vmem_shared>> -> memref<6400x64xf32, #tpu.memory_space<vmem_shared>>
        tpu.wait_dma2 semaphore(%arg11 : memref<!tpu.dma_semaphore, #tpu.memory_space<semaphore_mem>>) src(%dma_wait3A_273 : memref<6400x64xf32, #tpu.memory_space<vmem_shared>>) dst(%dma_wait3A_269 : memref<6400x64xf32, #tpu.memory_space<hbm>>)
      } else {
      }
      %rem3A_213 = arith.constant 2 : i32
      %rem3A_214 = arith.remsi %add3A_204, %rem3A_213 : i32
      %rem3A_215 = arith.constant 3 : i32
      %rem3A_216 = arith.remsi %add3A_204, %rem3A_215 : i32
      %mul3A_217 = arith.constant 400 : i32
      %mul3A_218 = arith.muli %arg1, %mul3A_217 : i32
      %dma_wait3A_219 = arith.constant 0 : i32
      %dma_wait3A_220 = arith.constant 0 : i32
      %dma_wait3A_221 = tpu.memref_slice %arg6[%rem3A_214, %dma_wait3A_219, %dma_wait3A_220] : memref<2x400x64xf32, #tpu.memory_space<vmem>> -> memref<1x400x64xf32, #tpu.memory_space<vmem>>
      %dma_wait3A_222 = tpu.memref_squeeze %dma_wait3A_221 : memref<1x400x64xf32, #tpu.memory_space<vmem>> -> memref<400x64xf32, #tpu.memory_space<vmem>>
      %dma_wait3A_223 = arith.constant 0 : i32
      %dma_wait3A_224 = tpu.memref_slice %arg7[%rem3A_216, %mul3A_218, %dma_wait3A_223] : memref<3x6400x64xf32, #tpu.memory_space<vmem_shared>> -> memref<1x400x64xf32, #tpu.memory_space<vmem_shared>>
      %dma_wait3A_225 = tpu.memref_squeeze %dma_wait3A_224 : memref<1x400x64xf32, #tpu.memory_space<vmem_shared>> -> memref<400x64xf32, #tpu.memory_space<vmem_shared>>
      %dma_wait3A_226 = arith.constant 0 : i32
      %dma_wait3A_227 = tpu.memref_slice %arg7[%rem3A_216, %mul3A_218, %dma_wait3A_226] : memref<3x6400x64xf32, #tpu.memory_space<vmem_shared>> -> memref<1x400x64xf32, #tpu.memory_space<vmem_shared>>
      %dma_wait3A_228 = tpu.memref_squeeze %dma_wait3A_227 : memref<1x400x64xf32, #tpu.memory_space<vmem_shared>> -> memref<400x64xf32, #tpu.memory_space<vmem_shared>>
      %dma_wait3A_229 = arith.constant 0 : i32
      %dma_wait3A_230 = arith.constant 0 : i32
      %dma_wait3A_231 = tpu.memref_slice %arg6[%rem3A_214, %dma_wait3A_229, %dma_wait3A_230] : memref<2x400x64xf32, #tpu.memory_space<vmem>> -> memref<1x400x64xf32, #tpu.memory_space<vmem>>
      %dma_wait3A_232 = tpu.memref_squeeze %dma_wait3A_231 : memref<1x400x64xf32, #tpu.memory_space<vmem>> -> memref<400x64xf32, #tpu.memory_space<vmem>>
      tpu.wait_dma2 semaphore(%arg10 : memref<!tpu.dma_semaphore, #tpu.memory_space<semaphore_mem>>) src(%dma_wait3A_232 : memref<400x64xf32, #tpu.memory_space<vmem>>) dst(%dma_wait3A_228 : memref<400x64xf32, #tpu.memory_space<vmem_shared>>)
      %barrier3A = arith.constant 0 : index
      tpu.barrier barrier_id(%barrier3A)
      %rem3A_233 = arith.constant 16 : i32
      %rem3A_234 = arith.remsi %add3A_204, %rem3A_233 : i32
      %eq3A_235 = arith.cmpi eq, %arg1, %rem3A_234 : i32
      %convert_element_type3A_236 = arith.extui %eq3A_235 : i1 to i32
      %cond3A_237 = arith.constant 0 : i32
      %cond3A_238 = arith.cmpi ne, %convert_element_type3A_236, %cond3A_237 : i32
      scf.if %cond3A_238 {
        %rem3A_259 = arith.constant 3 : i32
        %rem3A_260 = arith.remsi %add3A_204, %rem3A_259 : i32
        %mul3A_261 = arith.constant 64 : i32
        %mul3A_262 = arith.muli %arg0, %mul3A_261 : i32
        %add3A_263 = arith.addi %mul3A_262, %add3A_204 : i32
        %mul3A_264 = arith.constant 6400 : i32
        %mul3A_265 = arith.muli %add3A_263, %mul3A_264 : i32
        %dma_start3A_266 = arith.constant 0 : i32
        %dma_start3A_267 = tpu.memref_slice %arg4[%mul3A_265, %dma_start3A_266] : memref<819200x64xf32, #tpu.memory_space<hbm>> -> memref<6400x64xf32, #tpu.memory_space<hbm>>
        %dma_start3A_268 = arith.constant 0 : i32
        %dma_start3A_269 = arith.constant 0 : i32
        %dma_start3A_270 = tpu.memref_slice %arg7[%rem3A_260, %dma_start3A_268, %dma_start3A_269] : memref<3x6400x64xf32, #tpu.memory_space<vmem_shared>> -> memref<1x6400x64xf32, #tpu.memory_space<vmem_shared>>
        %dma_start3A_271 = tpu.memref_squeeze %dma_start3A_270 : memref<1x6400x64xf32, #tpu.memory_space<vmem_shared>> -> memref<6400x64xf32, #tpu.memory_space<vmem_shared>>
        tpu.enqueue_dma source(%dma_start3A_271 : memref<6400x64xf32, #tpu.memory_space<vmem_shared>>) target(%dma_start3A_267 : memref<6400x64xf32, #tpu.memory_space<hbm>>) target_semaphore(%arg11 : memref<!tpu.dma_semaphore, #tpu.memory_space<semaphore_mem>>)
      } else {
      }
      %add3A_239 = arith.constant 3 : i32
      %add3A_240 = arith.addi %add3A_204, %add3A_239 : i32
      %lt3A = arith.constant 64 : i32
      %lt3A_241 = arith.cmpi slt, %add3A_240, %lt3A : i32
      %convert_element_type3A_242 = arith.extui %lt3A_241 : i1 to i32
      %cond3A_243 = arith.constant 0 : i32
      %cond3A_244 = arith.cmpi ne, %convert_element_type3A_242, %cond3A_243 : i32
      scf.if %cond3A_244 {
        %add3A_259 = arith.constant 3 : i32
        %add3A_260 = arith.addi %add3A_204, %add3A_259 : i32
        %rem3A_261 = arith.constant 3 : i32
        %rem3A_262 = arith.remsi %add3A_260, %rem3A_261 : i32
        %rem3A_263 = arith.constant 3 : i32
        %rem3A_264 = arith.remsi %add3A_260, %rem3A_263 : i32
        %dma_start3A_265 = arith.constant 0 : i32
        %dma_start3A_266 = tpu.memref_slice %arg5[%rem3A_262, %dma_start3A_265] : memref<3x400xi32, #tpu.memory_space<vmem>> -> memref<1x400xi32, #tpu.memory_space<vmem>>
        %dma_start3A_267 = tpu.memref_squeeze %dma_start3A_266 : memref<1x400xi32, #tpu.memory_space<vmem>> -> memref<400xi32, #tpu.memory_space<vmem>>
        %dma_start3A_268 = arith.constant 0 : i32
        %dma_start3A_269 = tpu.memref_slice %arg2[%arg0, %add3A_260, %arg1, %dma_start3A_268] : memref<2x64x16x400xi32, #tpu.memory_space<hbm>> -> memref<1x1x1x400xi32, #tpu.memory_space<hbm>>
        %dma_start3A_270 = tpu.memref_squeeze %dma_start3A_269 : memref<1x1x1x400xi32, #tpu.memory_space<hbm>> -> memref<400xi32, #tpu.memory_space<hbm>>
        %dma_start3A_271 = tpu.memref_slice %arg8[%rem3A_264] : memref<3x!tpu.dma_semaphore, #tpu.memory_space<semaphore_mem>> -> memref<1x!tpu.dma_semaphore, #tpu.memory_space<semaphore_mem>>
        %dma_start3A_272 = tpu.memref_squeeze %dma_start3A_271 : memref<1x!tpu.dma_semaphore, #tpu.memory_space<semaphore_mem>> -> memref<!tpu.dma_semaphore, #tpu.memory_space<semaphore_mem>>
        %dma_start3A_273 = arith.constant 0 : i32
        %dma_start3A_274 = tpu.memref_slice %arg5[%rem3A_262, %dma_start3A_273] : memref<3x400xi32, #tpu.memory_space<vmem>> -> memref<1x400xi32, #tpu.memory_space<vmem>>
        %dma_start3A_275 = tpu.memref_squeeze %dma_start3A_274 : memref<1x400xi32, #tpu.memory_space<vmem>> -> memref<400xi32, #tpu.memory_space<vmem>>
        %dma_start3A_276 = arith.constant 0 : i32
        %dma_start3A_277 = tpu.memref_slice %arg2[%arg0, %add3A_260, %arg1, %dma_start3A_276] : memref<2x64x16x400xi32, #tpu.memory_space<hbm>> -> memref<1x1x1x400xi32, #tpu.memory_space<hbm>>
        %dma_start3A_278 = tpu.memref_squeeze %dma_start3A_277 : memref<1x1x1x400xi32, #tpu.memory_space<hbm>> -> memref<400xi32, #tpu.memory_space<hbm>>
        tpu.enqueue_dma source(%dma_start3A_278 : memref<400xi32, #tpu.memory_space<hbm>>) target(%dma_start3A_275 : memref<400xi32, #tpu.memory_space<vmem>>) target_semaphore(%dma_start3A_272 : memref<!tpu.dma_semaphore, #tpu.memory_space<semaphore_mem>>)
      } else {
      }
      %add3A_245 = arith.constant 2 : i32
      %add3A_246 = arith.addi %add3A_204, %add3A_245 : i32
      %lt3A_247 = arith.constant 64 : i32
      %lt3A_248 = arith.cmpi slt, %add3A_246, %lt3A_247 : i32
      %convert_element_type3A_249 = arith.extui %lt3A_248 : i1 to i32
      %cond3A_250 = arith.constant 0 : i32
      %cond3A_251 = arith.cmpi ne, %convert_element_type3A_249, %cond3A_250 : i32
      scf.if %cond3A_251 {
        %add3A_259 = arith.constant 2 : i32
        %add3A_260 = arith.addi %add3A_204, %add3A_259 : i32
        %rem3A_261 = arith.constant 3 : i32
        %rem3A_262 = arith.remsi %add3A_260, %rem3A_261 : i32
        %rem3A_263 = arith.constant 3 : i32
        %rem3A_264 = arith.remsi %add3A_260, %rem3A_263 : i32
        %dma_wait3A_265 = arith.constant 0 : i32
        %dma_wait3A_266 = tpu.memref_slice %arg5[%rem3A_262, %dma_wait3A_265] : memref<3x400xi32, #tpu.memory_space<vmem>> -> memref<1x400xi32, #tpu.memory_space<vmem>>
        %dma_wait3A_267 = tpu.memref_squeeze %dma_wait3A_266 : memref<1x400xi32, #tpu.memory_space<vmem>> -> memref<400xi32, #tpu.memory_space<vmem>>
        %dma_wait3A_268 = arith.constant 0 : i32
        %dma_wait3A_269 = tpu.memref_slice %arg2[%arg0, %add3A_260, %arg1, %dma_wait3A_268] : memref<2x64x16x400xi32, #tpu.memory_space<hbm>> -> memref<1x1x1x400xi32, #tpu.memory_space<hbm>>
        %dma_wait3A_270 = tpu.memref_squeeze %dma_wait3A_269 : memref<1x1x1x400xi32, #tpu.memory_space<hbm>> -> memref<400xi32, #tpu.memory_space<hbm>>
        %dma_wait3A_271 = tpu.memref_slice %arg8[%rem3A_264] : memref<3x!tpu.dma_semaphore, #tpu.memory_space<semaphore_mem>> -> memref<1x!tpu.dma_semaphore, #tpu.memory_space<semaphore_mem>>
        %dma_wait3A_272 = tpu.memref_squeeze %dma_wait3A_271 : memref<1x!tpu.dma_semaphore, #tpu.memory_space<semaphore_mem>> -> memref<!tpu.dma_semaphore, #tpu.memory_space<semaphore_mem>>
        %dma_wait3A_273 = arith.constant 0 : i32
        %dma_wait3A_274 = tpu.memref_slice %arg5[%rem3A_262, %dma_wait3A_273] : memref<3x400xi32, #tpu.memory_space<vmem>> -> memref<1x400xi32, #tpu.memory_space<vmem>>
        %dma_wait3A_275 = tpu.memref_squeeze %dma_wait3A_274 : memref<1x400xi32, #tpu.memory_space<vmem>> -> memref<400xi32, #tpu.memory_space<vmem>>
        %dma_wait3A_276 = arith.constant 0 : i32
        %dma_wait3A_277 = tpu.memref_slice %arg2[%arg0, %add3A_260, %arg1, %dma_wait3A_276] : memref<2x64x16x400xi32, #tpu.memory_space<hbm>> -> memref<1x1x1x400xi32, #tpu.memory_space<hbm>>
        %dma_wait3A_278 = tpu.memref_squeeze %dma_wait3A_277 : memref<1x1x1x400xi32, #tpu.memory_space<hbm>> -> memref<400xi32, #tpu.memory_space<hbm>>
        tpu.wait_dma2 semaphore(%dma_wait3A_272 : memref<!tpu.dma_semaphore, #tpu.memory_space<semaphore_mem>>) src(%dma_wait3A_278 : memref<400xi32, #tpu.memory_space<hbm>>) dst(%dma_wait3A_275 : memref<400xi32, #tpu.memory_space<vmem>>)
        %add3A_279 = arith.constant 2 : i32
        %add3A_280 = arith.addi %add3A_204, %add3A_279 : i32
        %rem3A_281 = arith.constant 3 : i32
        %rem3A_282 = arith.remsi %add3A_280, %rem3A_281 : i32
        %rem3A_283 = arith.constant 2 : i32
        %rem3A_284 = arith.remsi %add3A_280, %rem3A_283 : i32
        %rem3A_285 = arith.constant 2 : i32
        %rem3A_286 = arith.remsi %add3A_280, %rem3A_285 : i32
        %dma_start3A_287 = arith.constant 0 : i32
        %dma_start3A_288 = arith.constant 0 : i32
        %dma_start3A_289 = tpu.memref_slice %arg6[%rem3A_284, %dma_start3A_287, %dma_start3A_288] : memref<2x400x64xf32, #tpu.memory_space<vmem>> -> memref<1x400x64xf32, #tpu.memory_space<vmem>>
        %dma_start3A_290 = tpu.memref_squeeze %dma_start3A_289 : memref<1x400x64xf32, #tpu.memory_space<vmem>> -> memref<400x64xf32, #tpu.memory_space<vmem>>
        %dma_start3A_291 = arith.constant 0 : i32
        %dma_start3A_292 = tpu.memref_slice %arg5[%rem3A_282, %dma_start3A_291] : memref<3x400xi32, #tpu.memory_space<vmem>> -> memref<1x400xi32, #tpu.memory_space<vmem>>
        %dma_start3A_293 = tpu.memref_squeeze %dma_start3A_292 : memref<1x400xi32, #tpu.memory_space<vmem>> -> memref<400xi32, #tpu.memory_space<vmem>>
        %dma_start3A_294 = arith.constant 0 : i32
        %dma_start3A_295 = arith.constant 0 : i32
        %dma_start3A_296 = tpu.memref_slice %arg3[%dma_start3A_294, %dma_start3A_295] : memref<1000x64xf32, #tpu.memory_space<hbm>> -> memref<1000x64xf32, #tpu.memory_space<hbm>>
        %dma_start3A_297 = tpu.memref_slice %arg9[%rem3A_286] : memref<2x!tpu.dma_semaphore, #tpu.memory_space<semaphore_mem>> -> memref<1x!tpu.dma_semaphore, #tpu.memory_space<semaphore_mem>>
        %dma_start3A_298 = tpu.memref_squeeze %dma_start3A_297 : memref<1x!tpu.dma_semaphore, #tpu.memory_space<semaphore_mem>> -> memref<!tpu.dma_semaphore, #tpu.memory_space<semaphore_mem>>
        tpu.enqueue_indirect_dma source(%dma_start3A_296 : memref<1000x64xf32, #tpu.memory_space<hbm>>) target(%dma_start3A_290 : memref<400x64xf32, #tpu.memory_space<vmem>>) offsets(%dma_start3A_293 : memref<400xi32, #tpu.memory_space<vmem>>) semaphore(%dma_start3A_298 : memref<!tpu.dma_semaphore, #tpu.memory_space<semaphore_mem>>)
      } else {
      }
      %add3A_252 = arith.constant 1 : i32
      %add3A_253 = arith.addi %add3A_204, %add3A_252 : i32
      %lt3A_254 = arith.constant 64 : i32
      %lt3A_255 = arith.cmpi slt, %add3A_253, %lt3A_254 : i32
      %convert_element_type3A_256 = arith.extui %lt3A_255 : i1 to i32
      %cond3A_257 = arith.constant 0 : i32
      %cond3A_258 = arith.cmpi ne, %convert_element_type3A_256, %cond3A_257 : i32
      scf.if %cond3A_258 {
        %add3A_259 = arith.constant 1 : i32
        %add3A_260 = arith.addi %add3A_204, %add3A_259 : i32
        %rem3A_261 = arith.constant 3 : i32
        %rem3A_262 = arith.remsi %add3A_260, %rem3A_261 : i32
        %rem3A_263 = arith.constant 2 : i32
        %rem3A_264 = arith.remsi %add3A_260, %rem3A_263 : i32
        %rem3A_265 = arith.constant 2 : i32
        %rem3A_266 = arith.remsi %add3A_260, %rem3A_265 : i32
        %dma_wait3A_267 = arith.constant 0 : i32
        %dma_wait3A_268 = arith.constant 0 : i32
        %dma_wait3A_269 = tpu.memref_slice %arg6[%rem3A_264, %dma_wait3A_267, %dma_wait3A_268] : memref<2x400x64xf32, #tpu.memory_space<vmem>> -> memref<1x400x64xf32, #tpu.memory_space<vmem>>
        %dma_wait3A_270 = tpu.memref_squeeze %dma_wait3A_269 : memref<1x400x64xf32, #tpu.memory_space<vmem>> -> memref<400x64xf32, #tpu.memory_space<vmem>>
        %dma_wait3A_271 = arith.constant 0 : i32
        %dma_wait3A_272 = tpu.memref_slice %arg5[%rem3A_262, %dma_wait3A_271] : memref<3x400xi32, #tpu.memory_space<vmem>> -> memref<1x400xi32, #tpu.memory_space<vmem>>
        %dma_wait3A_273 = tpu.memref_squeeze %dma_wait3A_272 : memref<1x400xi32, #tpu.memory_space<vmem>> -> memref<400xi32, #tpu.memory_space<vmem>>
        %dma_wait3A_274 = arith.constant 0 : i32
        %dma_wait3A_275 = arith.constant 0 : i32
        %dma_wait3A_276 = tpu.memref_slice %arg3[%dma_wait3A_274, %dma_wait3A_275] : memref<1000x64xf32, #tpu.memory_space<hbm>> -> memref<1000x64xf32, #tpu.memory_space<hbm>>
        %dma_wait3A_277 = tpu.memref_slice %arg9[%rem3A_266] : memref<2x!tpu.dma_semaphore, #tpu.memory_space<semaphore_mem>> -> memref<1x!tpu.dma_semaphore, #tpu.memory_space<semaphore_mem>>
        %dma_wait3A_278 = tpu.memref_squeeze %dma_wait3A_277 : memref<1x!tpu.dma_semaphore, #tpu.memory_space<semaphore_mem>> -> memref<!tpu.dma_semaphore, #tpu.memory_space<semaphore_mem>>
        tpu.wait_indirect_dma semaphore(%dma_wait3A_278 : memref<!tpu.dma_semaphore, #tpu.memory_space<semaphore_mem>>) src(%dma_wait3A_276 : memref<1000x64xf32, #tpu.memory_space<hbm>>) dst(%dma_wait3A_270 : memref<400x64xf32, #tpu.memory_space<vmem>>)
        %add3A_279 = arith.constant 1 : i32
        %add3A_280 = arith.addi %add3A_204, %add3A_279 : i32
        %rem3A_281 = arith.constant 2 : i32
        %rem3A_282 = arith.remsi %add3A_280, %rem3A_281 : i32
        %rem3A_283 = arith.constant 3 : i32
        %rem3A_284 = arith.remsi %add3A_280, %rem3A_283 : i32
        %mul3A_285 = arith.constant 400 : i32
        %mul3A_286 = arith.muli %arg1, %mul3A_285 : i32
        %dma_start3A_287 = arith.constant 0 : i32
        %dma_start3A_288 = arith.constant 0 : i32
        %dma_start3A_289 = tpu.memref_slice %arg6[%rem3A_282, %dma_start3A_287, %dma_start3A_288] : memref<2x400x64xf32, #tpu.memory_space<vmem>> -> memref<1x400x64xf32, #tpu.memory_space<vmem>>
        %dma_start3A_290 = tpu.memref_squeeze %dma_start3A_289 : memref<1x400x64xf32, #tpu.memory_space<vmem>> -> memref<400x64xf32, #tpu.memory_space<vmem>>
        %dma_start3A_291 = arith.constant 0 : i32
        %dma_start3A_292 = tpu.memref_slice %arg7[%rem3A_284, %mul3A_286, %dma_start3A_291] : memref<3x6400x64xf32, #tpu.memory_space<vmem_shared>> -> memref<1x400x64xf32, #tpu.memory_space<vmem_shared>>
        %dma_start3A_293 = tpu.memref_squeeze %dma_start3A_292 : memref<1x400x64xf32, #tpu.memory_space<vmem_shared>> -> memref<400x64xf32, #tpu.memory_space<vmem_shared>>
        %dma_start3A_294 = arith.constant 0 : i32
        %dma_start3A_295 = tpu.memref_slice %arg7[%rem3A_284, %mul3A_286, %dma_start3A_294] : memref<3x6400x64xf32, #tpu.memory_space<vmem_shared>> -> memref<1x400x64xf32, #tpu.memory_space<vmem_shared>>
        %dma_start3A_296 = tpu.memref_squeeze %dma_start3A_295 : memref<1x400x64xf32, #tpu.memory_space<vmem_shared>> -> memref<400x64xf32, #tpu.memory_space<vmem_shared>>
        %dma_start3A_297 = arith.constant 0 : i32
        %dma_start3A_298 = arith.constant 0 : i32
        %dma_start3A_299 = tpu.memref_slice %arg6[%rem3A_282, %dma_start3A_297, %dma_start3A_298] : memref<2x400x64xf32, #tpu.memory_space<vmem>> -> memref<1x400x64xf32, #tpu.memory_space<vmem>>
        %dma_start3A_300 = tpu.memref_squeeze %dma_start3A_299 : memref<1x400x64xf32, #tpu.memory_space<vmem>> -> memref<400x64xf32, #tpu.memory_space<vmem>>
        tpu.enqueue_dma source(%dma_start3A_300 : memref<400x64xf32, #tpu.memory_space<vmem>>) target(%dma_start3A_296 : memref<400x64xf32, #tpu.memory_space<vmem_shared>>) target_semaphore(%arg10 : memref<!tpu.dma_semaphore, #tpu.memory_space<semaphore_mem>>)
      } else {
      }
    }
    %scan3A_189 = arith.constant 64 : i32
    %rem3A_190 = arith.constant 62 : i32
    %rem3A_191 = arith.constant 16 : i32
    %rem3A_192 = arith.remsi %rem3A_190, %rem3A_191 : i32
    %eq3A = arith.cmpi eq, %arg1, %rem3A_192 : i32
    %convert_element_type3A = arith.extui %eq3A : i1 to i32
    %cond3A = arith.constant 0 : i32
    %cond3A_193 = arith.cmpi ne, %convert_element_type3A, %cond3A : i32
    scf.if %cond3A_193 {
      %rem3A_201 = arith.constant 62 : i32
      %rem3A_202 = arith.constant 3 : i32
      %rem3A_203 = arith.remsi %rem3A_201, %rem3A_202 : i32
      %mul3A_204 = arith.constant 64 : i32
      %mul3A_205 = arith.muli %arg0, %mul3A_204 : i32
      %add3A = arith.constant 62 : i32
      %add3A_206 = arith.addi %mul3A_205, %add3A : i32
      %mul3A_207 = arith.constant 6400 : i32
      %mul3A_208 = arith.muli %add3A_206, %mul3A_207 : i32
      %dma_wait3A_209 = arith.constant 0 : i32
      %dma_wait3A_210 = tpu.memref_slice %arg4[%mul3A_208, %dma_wait3A_209] : memref<819200x64xf32, #tpu.memory_space<hbm>> -> memref<6400x64xf32, #tpu.memory_space<hbm>>
      %dma_wait3A_211 = arith.constant 0 : i32
      %dma_wait3A_212 = arith.constant 0 : i32
      %dma_wait3A_213 = tpu.memref_slice %arg7[%rem3A_203, %dma_wait3A_211, %dma_wait3A_212] : memref<3x6400x64xf32, #tpu.memory_space<vmem_shared>> -> memref<1x6400x64xf32, #tpu.memory_space<vmem_shared>>
      %dma_wait3A_214 = tpu.memref_squeeze %dma_wait3A_213 : memref<1x6400x64xf32, #tpu.memory_space<vmem_shared>> -> memref<6400x64xf32, #tpu.memory_space<vmem_shared>>
      tpu.wait_dma2 semaphore(%arg11 : memref<!tpu.dma_semaphore, #tpu.memory_space<semaphore_mem>>) src(%dma_wait3A_214 : memref<6400x64xf32, #tpu.memory_space<vmem_shared>>) dst(%dma_wait3A_210 : memref<6400x64xf32, #tpu.memory_space<hbm>>)
    } else {
    }
    %rem3A_194 = arith.constant 63 : i32
    %rem3A_195 = arith.constant 16 : i32
    %rem3A_196 = arith.remsi %rem3A_194, %rem3A_195 : i32
    %eq3A_197 = arith.cmpi eq, %arg1, %rem3A_196 : i32
    %convert_element_type3A_198 = arith.extui %eq3A_197 : i1 to i32
    %cond3A_199 = arith.constant 0 : i32
    %cond3A_200 = arith.cmpi ne, %convert_element_type3A_198, %cond3A_199 : i32
    scf.if %cond3A_200 {
      %rem3A_201 = arith.constant 63 : i32
      %rem3A_202 = arith.constant 3 : i32
      %rem3A_203 = arith.remsi %rem3A_201, %rem3A_202 : i32
      %mul3A_204 = arith.constant 64 : i32
      %mul3A_205 = arith.muli %arg0, %mul3A_204 : i32
      %add3A = arith.constant 63 : i32
      %add3A_206 = arith.addi %mul3A_205, %add3A : i32
      %mul3A_207 = arith.constant 6400 : i32
      %mul3A_208 = arith.muli %add3A_206, %mul3A_207 : i32
      %dma_wait3A_209 = arith.constant 0 : i32
      %dma_wait3A_210 = tpu.memref_slice %arg4[%mul3A_208, %dma_wait3A_209] : memref<819200x64xf32, #tpu.memory_space<hbm>> -> memref<6400x64xf32, #tpu.memory_space<hbm>>
      %dma_wait3A_211 = arith.constant 0 : i32
      %dma_wait3A_212 = arith.constant 0 : i32
      %dma_wait3A_213 = tpu.memref_slice %arg7[%rem3A_203, %dma_wait3A_211, %dma_wait3A_212] : memref<3x6400x64xf32, #tpu.memory_space<vmem_shared>> -> memref<1x6400x64xf32, #tpu.memory_space<vmem_shared>>
      %dma_wait3A_214 = tpu.memref_squeeze %dma_wait3A_213 : memref<1x6400x64xf32, #tpu.memory_space<vmem_shared>> -> memref<6400x64xf32, #tpu.memory_space<vmem_shared>>
      tpu.wait_dma2 semaphore(%arg11 : memref<!tpu.dma_semaphore, #tpu.memory_space<semaphore_mem>>) src(%dma_wait3A_214 : memref<6400x64xf32, #tpu.memory_space<vmem_shared>>) dst(%dma_wait3A_210 : memref<6400x64xf32, #tpu.memory_space<hbm>>)
    } else {
    }
    return
  }
}

</mosaic_0001>

<sc_bundles>
// kernel: kernel.3.cloned.1.call-start
scs
__scs_entry_jumppad:
0x0: {  	(pc) =	sbr.rel $0x88, $3  }
0x1: {  	(tag) =	ssettag $0x0;
	lr =	simm.s32 $0x1  }
0x2: {  	[smem:$0x3F9F] =	sst lr;
	_ =	strace $0xD0000000  }
0x3: {  	_ = 	snop  }
0x4: {  	_ = 	snop  }
0x5: {  	_ = 	snop  }
0x6: {  	_ = 	snop  }
0x7: {  	_ = 	snop  }
__scs_overlays_trampoline_lowered:
0x8: {  	[smem:$0x3FAE] =	sst s0  }
0x9: {  	[smem:$0x3FAF] =	sst s1  }
0xa: {  	[smem:$0x3FB0] =	sst s2  }
0xb: {  	[smem:$0x3FB1] =	sst s3  }
0xc: {  	[smem:$0x3FB2] =	sst s4  }
0xd: {  	[smem:$0x3FB3] =	sst s5  }
0xe: {  	[smem:$0x3FB4] =	sst s6  }
0xf: {  	[smem:$0x3FB5] =	sst s7  }
0x10: {  	[smem:$0x3FB6] =	sst s8  }
0x11: {  	[smem:$0x3FB7] =	sst s9;
	s0 =	simm.s32 @!p0 $0x0  }
0x12: {  	s1 =	sld [smem:$0x3F9D];
	s0 =	simm.s32 @p0 $0x1  }
0x13: {  	[smem:$0x3FB8] =	sst s0;
	s0 =	simm.s32 @!p1 $0x0  }
0x14: {  	s2 =	sld [smem:$0x3F9C];
	s0 =	simm.s32 @p1 $0x1  }
0x15: {  	[smem:$0x3FB9] =	sst s0;
	s0 =	simm.s32 @!p2 $0x0  }
0x16: {  	s3 =	sld [smem:$0x3FDB];
	s0 =	simm.s32 @p2 $0x1  }
0x17: {  	s4 =	simm.s32 $0x1BF5;
	[smem:$0x3FBB] =	sst s0  }
0x18: {  	s0 =	sld [smem:$0x3F9E];
	_ =	swait.ge [sflag:s4], $0x0  }
0x19: {  	s7 =	sld [smem:$0x3F9F]  }
0x1a: {  	s8 =	sadd.s32 $0xFFFFE003, lr  }
0x1b: {  	s9 =	sadd.s32 $0xFFFFFEF7, lr;
	s5 =	simm.s32 $0xFFFFFFFF;
	p2 =	slt.u32 s8, $0xFFFFF086  }
0x1c: {  	p1 =	slt.u32 s9, $0xF7A;
	s5 =	simm.s32 @!p2 $0x0  }
0x1d: {  	s5 =	simm.s32 @p1 $0x1;
	p0 =	seq.s32 s7, s2  }
0x1e: {  	s7 =	smul.u32 @!p0 $0xF7A, s2;
	p2 =	seq.s32 @!p0 s5, $0x0  }
0x1f: {  	s9 =	smul.u32 $0xF7A, s1;
	s8 =	simm.s32 @!p0 $0x1BF5;
	p2 =	por !p2, p0  }
0x20: {  	[sflag:s8] =	ssyncset.s32 @!p0 $0xFFFFF086;
	s6 =	sadd.s32 @!p0 s3, s7;
	s7 =	simm.s32 @!p0 $0x108  }
0x21: {  	s3 =	sadd.s32 s3, s9;
	s6 =	sadd.s32 @!p0 $0x88, s6;
	s7 =	simm.s32 @p2 $0x1082  }
0x22: {  	[simem:s7], [sflag:s8] =	dma.local @!p0 [hbm:s6], $0xF7A  }
0x23: {  	s9 =	sor.u32 $0xD0000000, s2;
	s6 =	simm.s32 $0x108;
	_ =	swait.ge @!p0 [sflag:s8], $0x0  }
0x24: {  	s3 =	sadd.s32 $0x88, s3;
	s6 =	simm.s32 @!p1 $0x1082;
	[sflag:s4] =	ssyncset.s32 $0xFFFFF086  }
0x25: {  	[simem:s6], [sflag:s4] =	dma.local [hbm:s3], $0xF7A  }
0x26: {  	[smem:$0x3F9F] =	sst s1;
	(tag) =	ssettag s2;
	_ =	strace s9  }
0x27: {  	s1 =	sld [smem:$0x3FAF]  }
0x28: {  	s2 =	sld [smem:$0x3FB0]  }
0x29: {  	s4 =	sld [smem:$0x3FB2]  }
0x2a: {  	p0 =	seq.s32 s5, $0x0;
	s5 =	sld [smem:$0x3FB3]  }
0x2b: {  	s6 =	sld [smem:$0x3FB4]  }
0x2c: {  	s7 =	sld [smem:$0x3FB5]  }
0x2d: {  	s3 =	simm.s32 $0x108;
	s8 =	sld [smem:$0x3FB6]  }
0x2e: {  	s3 =	simm.s32 @!p0 $0x1082;
	s9 =	sld [smem:$0x3FB7]  }
0x2f: {  	lr =	sadd.s32 s0, s3;
	s0 =	sld [smem:$0x3FAE]  }
0x30: {  	s3 =	sld [smem:$0x3FB1]  }
0x31: {  	[smem:$0x3FBA] =	sst s10  }
0x32: {  	s10 =	sld [smem:$0x3FB8];
	_ =	sdelay $0x3  }
0x33: {  	p0 =	seq.s32 s10, $0x1;
	s10 =	sld [smem:$0x3FBA];
	_ =	sdelay $0x3  }
0x34: {  	[smem:$0x3FBA] =	sst s10  }
0x35: {  	s10 =	sld [smem:$0x3FB9];
	_ =	sdelay $0x3  }
0x36: {  	p1 =	seq.s32 s10, $0x1;
	s10 =	sld [smem:$0x3FBA];
	_ =	sdelay $0x3  }
0x37: {  	[smem:$0x3FBA] =	sst s10  }
0x38: {  	s10 =	sld [smem:$0x3FBB]  }
0x39: {  	_ = 	snop;
	(pc) =	sbr.ind lr, $3  }
0x3a: {  	_ = 	snop  }
0x3b: {  	_ = 	snop  }
0x3c: {  	p2 =	seq.s32 s10, $0x1;
	s10 =	sld [smem:$0x3FBA]  }
0x3d: {  	_ =	shalt  }
0x3e: {  	_ =	shalt  }
0x3f: {  	_ =	shalt  }
0x40: {  	_ =	shalt  }
0x41: {  	_ =	shalt  }
0x42: {  	_ =	shalt  }
0x43: {  	_ =	shalt  }
0x44: {  	_ =	shalt  }
0x45: {  	_ =	shalt  }
0x46: {  	_ =	shalt  }
0x47: {  	_ =	shalt  }
0x48: {  	_ =	shalt  }
0x49: {  	_ =	shalt  }
0x4a: {  	_ =	shalt  }
0x4b: {  	_ =	shalt  }
0x4c: {  	_ =	shalt  }
0x4d: {  	_ =	shalt  }
0x4e: {  	_ =	shalt  }
0x4f: {  	_ =	shalt  }
0x50: {  	_ =	shalt  }
0x51: {  	_ =	shalt  }
0x52: {  	_ =	shalt  }
0x53: {  	_ =	shalt  }
0x54: {  	_ =	shalt  }
0x55: {  	_ =	shalt  }
0x56: {  	_ =	shalt  }
0x57: {  	_ =	shalt  }
0x58: {  	_ =	shalt  }
0x59: {  	_ =	shalt  }
0x5a: {  	_ =	shalt  }
0x5b: {  	_ =	shalt  }
0x5c: {  	_ =	shalt  }
0x5d: {  	_ =	shalt  }
0x5e: {  	_ =	shalt  }
0x5f: {  	_ =	shalt  }
0x60: {  	_ =	shalt  }
0x61: {  	_ =	shalt  }
0x62: {  	_ =	shalt  }
0x63: {  	_ =	shalt  }
0x64: {  	_ =	shalt  }
0x65: {  	_ =	shalt  }
0x66: {  	_ =	shalt  }
0x67: {  	_ =	shalt  }
0x68: {  	_ =	shalt  }
0x69: {  	_ =	shalt  }
0x6a: {  	_ =	shalt  }
0x6b: {  	_ =	shalt  }
0x6c: {  	_ =	shalt  }
0x6d: {  	_ =	shalt  }
0x6e: {  	_ =	shalt  }
0x6f: {  	_ =	shalt  }
0x70: {  	_ =	shalt  }
0x71: {  	_ =	shalt  }
0x72: {  	_ =	shalt  }
0x73: {  	_ =	shalt  }
0x74: {  	_ =	shalt  }
0x75: {  	_ =	shalt  }
0x76: {  	_ =	shalt  }
0x77: {  	_ =	shalt  }
0x78: {  	_ =	shalt  }
0x79: {  	_ =	shalt  }
0x7a: {  	_ =	shalt  }
0x7b: {  	_ =	shalt  }
0x7c: {  	_ =	shalt  }
0x7d: {  	_ =	shalt  }
0x7e: {  	_ =	shalt  }
0x7f: {  	_ =	shalt  }
0x80: {  	_ =	shalt  }
0x81: {  	_ =	shalt  }
0x82: {  	_ =	shalt  }
0x83: {  	_ =	shalt  }
0x84: {  	_ =	shalt  }
0x85: {  	_ =	shalt  }
0x86: {  	_ =	shalt  }
0x87: {  	_ =	shalt  }
.Lfunc_end0:
.L_simem_size_0:
called_computation.1_lowered:
.L_overlay_start_0:
0x88: {  	s2 =	sld [smem:$0x3FD9]  }
0x89: {  	s3 =	sld [smem:$0x3FFE];
	_ =	sdelay $0x1  }
0x8a: {  	s1 =	srdreg.scid  }
0x8b: {  	s0 =	sand.u32 $0x1, s1  }
0x8c: {  	s17 =	sshll.u32 s0, $0xA;
	s2 =	sadd.s32 s3, s2  }
0x8d: {  	s2 =	sadd.s32 s2, s17  }
0x8e: {  	[smem:$0x3FC6] =	sst s2  }
0x8f: {  	_ = 	snop  }
0x90: {  	s2 =	sld [smem:$0x3FD0];
	(tm) =	ssettm $0x1  }
0x91: {  	s18 =	sld [smem:$0x3FFB];
	_ =	sdelay $0x3  }
0x92: {  	_ =	strace s18  }
0x93: {  	s3 =	sld [smem:$0x3FFC];
	_ =	sdelay $0x3  }
0x94: {  	_ =	strace s3  }
0x95: {  	s3 =	sld [smem:$0x3FFD];
	_ =	sdelay $0x3  }
0x96: {  	_ =	strace s3  }
0x97: {  	_ =	strace $0x8FFFFFFF  }
0x98: {  	s19 =	sld [smem:$0x3FDB];
	_ =	sdelay $0x1  }
0x99: {  	s4 =	simm.s32 $_scs_section_size  }
0x9a: {  	s5 =	simm.s32 $_size__tile_overlayer_lowered;
	s6 =	simm.s32 $_tile_overlayer_lowered  }
0x9b: {  	s22 =	simm.s32 $0x1BFF;
	s21 =	sshll.u32 s6, $0x1;
	s3 =	sadd.s32 s4, s19  }
0x9c: {  	s7 =	simm.s32 $0x0;
	s20 =	sshll.u32 s5, $0x1;
	s5 =	sadd.s32 s21, s3  }
0x9d: {  	[timem:s7], [sflag:s22] =	dma.local [hbm:s5], s20  }
0x9e: {  	_ =	swait.ge [sflag:s22], s20  }
0x9f: {  	s4 =	ssub.s32 $0x0, s20;
	[sflag:s22] =	ssyncset.done $0x0  }
0xa0: {  	[sflag:s22] =	ssyncadd.s32 s4;
	_ =	sdelay $0x1  }
0xa1: {  	s23 =	simm.s32 $0x1B8B  }
0xa2: {  	_ =	swait.ge [sflag:s23], $0x1  }
0xa3: {  	[sflag:s23] =	ssyncset.done $0x0  }
0xa4: {  	s25 =	simm.s32 $0x1B8E;
	s24 =	sld [smem:$0x3FFE];
	[sflag:s23] =	ssyncadd.s32 $0xFFFFFFFF  }
0xa5: {  	s26 =	simm.s32 $execute0_lowered;
	[smem:$0x3FD2] =	sst s25  }
0xa6: {  	s5 =	sshll.u32 s26, $0x1;
	_ =	strace $0x80000046;
	[dreg:$0x1] =	wrdreg $0xFFFFFFFF  }
0xa7: {  	s28 =	simm.s32 $_size_execute0_lowered;
	s3 =	sadd.s32 s3, s5;
	[dreg:$0x0] =	wrdreg $0x0  }
0xa8: {  	s5 =	sshll.u32 s28, $0x1;
	[dreg:$0x2] =	wrdreg s3  }
0xa9: {  	[dreg:$0x3] =	wrdreg s5  }
0xaa: {  	[dreg:$0x4] =	wrdreg $0xC0  }
0xab: {  	_ =	task [dreg:s7], $0x5FFFF  }
0xac: {  	[dreg:$0x1] =	wrdreg $0xFFFFFFFF  }
0xad: {  	[dreg:$0x0] =	wrdreg $0x60  }
0xae: {  	[dreg:$0x2] =	wrdreg s24  }
0xaf: {  	[dreg:$0x3] =	wrdreg s2  }
0xb0: {  	[dreg:$0x4] =	wrdreg $0xCCB00  }
0xb1: {  	[dreg:$0x5] =	wrdreg $0x9  }
0xb2: {  	_ =	task.clear_ibuf [dreg:s7], $0x6FFFF;
	_ =	strace $0x90000046  }
0xb3: {  	s29 =	simm.s32 $0x9;
	_ =	strace $0x80000048  }
0xb4: {  	_ =	swait.ge [sflag:s29], $0x1  }
0xb5: {  	[sflag:s29] =	ssyncadd.s32 $0xFFFFFFFF  }
0xb6: {  	_ =	strace $0x90000048  }
0xb7: {  	_ =	sfence  }
0xb8: {  	s30 =	sld [smem:$0x0];
	_ =	sdelay $0x2  }
0xb9: {  	s31 =	sshll.u32 s1, $0xD;
	s1 =	sshrl.u32 s1, $0x2  }
0xba: {  	s3 =	sand.u32 $0x4000, s31;
	s1 =	sadd.s32 s1, s30  }
0xbb: {  	s0 =	sor.u32 s3, s0;
	s1 =	sshll.u32 s1, $0x11  }
0xbc: {  	s0 =	sor.u32 s1, s0  }
0xbd: {  	s0 =	sadd.s32 $0x8F2B, s0  }
0xbe: {  	[sflag:s0] =	ssyncadd.remote.s32 $0x1  }
0xbf: {  	_ =	sfence.sel $0xFFFF  }
0xc0: {  	[dreg:$0x0] =	wrdreg $0xFFFFFFFF;
	(pc) =	sbr.abs _section_cstart, $3  }
0xc1: {  	[dreg:$0x1] =	wrdreg $0xFFFFFFFF  }
0xc2: {  	_ =	task.clear_ibuf [dreg:s7], $0x2FFFF;
	_ =	strace $0x9FFFFFFF  }
0xc3: {  	(tm) =	ssettm $0x7FFFFFFF  }
tec
execute0_lowered:
.L_overlay_start_1:
0x0: {  	(tag) =	ssettag $0x1  }
0x1: {  	s4 =	rddreg [dreg:$0x0]  }
0x2: {  	s11 =	rddreg [dreg:$0x1]  }
0x3: {  	s1 =	rddreg [dreg:$0x2];
	s2 =	srdreg.scid  }
0x4: {  	s0 =	rddreg [dreg:$0x3];
	s3 =	simm.s32 $0x0;
	s15 =	simm.s32 $0x4B0  }
0x5: {  	s16 =	simm.s32 $0x2;
	s17 =	simm.s32 $0x68B0;
	s18 =	simm.s32 $0x4  }
0x6: {  	s19 =	simm.s32 $0x6;
	s9 =	sand.u32 $0x1, s2;
	s2 =	stileid.u32  }
0x7: {  	[smem:$0x7FF] =	sst s3;
	s10 =	sadd.s32 $0x2800, s4;
	s5 =	smul.u32 $0x64000, s9  }
0x8: {  	s4 =	sadd.s32 $0x800, s4;
	s6 =	smul.u32 $0x190, s2;
	_ =	strace $0x80000047  }
0x9: {  	s7 =	ssub.s32 $0x2, s9;
	s8 =	smul.u32 $0x19000, s2;
	s20 =	sand.u32 $0xE, s2  }
0xa: {  	s14 =	smul.u32 $0x320000, s9;
	s31 =	sshrl.u32 s7, $0x1;
	p0 =	sne.s32 s20, $0xE  }
0xb: {  	s20 =	simm.s32 $0x0;
	s12 =	sor.u32 s6, s5;
	s13 =	ssub.s32 s7, s31  }
.Ltmp0:
0xc: {  	s8 =	sshrl.u32 s8, $0x2;
	s11 =	sadd.s32 s14, s11;
	(pc) =	sbr.rel .LBB2_1-.Ltmp0, $4  }
0xd: {  	s14 =	simm.s32 $0x1;
	s6 =	sshrl.u32 s12, $0x3;
	s8 =	sadd.s32 s8, s1  }
0xe: {  	s12 =	sadd.s32 $0x4B00, s12;
	s9 =	smax.u32 s13, $0x1;
	s5 =	sadd.s32 s10, s6  }
0xf: {  	s13 =	simm.s32 $0x320;
	s12 =	sshrl.u32 s12, $0x3;
	s6 =	sadd.s32 $0x320, s5  }
0x10: {  	s7 =	sadd.s32 $0x640, s5;
	s10 =	sadd.s32 s12, s10;
	s12 =	simm.s32 $0x190  }
.LBB2_8:
0x11: {  	s20 =	sadd.s32 $0x1, s20  }
0x12: {  	p1 =	sne.s32 s20, s9  }
.Ltmp1:
0x13: {  	_ = 	snop;
	(pc) =	sbr.rel @!p1 .LBB2_9-.Ltmp1, $4  }
0x14: {  	s21 =	simm.s32 @!p0 $0x7  }
0x15: {  	_ =	swait.ge @!p0 [sflag:s21], $0xC800  }
0x16: {  	[sflag:s21] =	ssyncset.done @!p0 $0x0  }
0x17: {  	[sflag:s21] =	ssyncadd.s32 @!p0 $0xFFFF3800  }
.LBB2_1:
0x18: {  	[tilespmem:s3], [sflag:$0x1] =	stream.linear.gather [hbm4b:s5+s3], $0x190, $0x38;
	[tilespmem:$0x1F8B0] =	vst v63  }
0x19: {  	_ = 	snop  }
0x1a: {  	[tilespmem:s12], [sflag:$0x2] =	stream.linear.gather [hbm4b:s6+s3], $0x190, $0x38;
	[tilespmem:$0x1F8B0] =	vst v63  }
0x1b: {  	_ = 	snop  }
0x1c: {  	[tilespmem:s13], [sflag:$0x3] =	stream.linear.gather [hbm4b:s7+s3], $0x190, $0x38;
	[tilespmem:$0x1F8B0] =	vst v63  }
0x1d: {  	_ =	swait.ge [sflag:s14], $0x190  }
0x1e: {  	[sflag:s14] =	ssyncset.done $0x0  }
0x1f: {  	[sflag:s14] =	ssyncadd.s32 $0xFFFFFE70  }
0x20: {  	[tilespmem:s15], [sflag:$0x4] =	stream.indirect.gather [hbm4b:s4+s12], $0x40, s3, s12, $0xb8;
	[tilespmem:$0x1F8B0] =	vst v63  }
0x21: {  	_ =	swait.ge [sflag:s16], $0x190  }
0x22: {  	[sflag:s16] =	ssyncset.done $0x0  }
0x23: {  	[sflag:s16] =	ssyncadd.s32 $0xFFFFFE70  }
0x24: {  	[tilespmem:s17], [sflag:$0x5] =	stream.indirect.gather [hbm4b:s4+s12], $0x40, s12, s12, $0xb8;
	[tilespmem:$0x1F8B0] =	vst v63  }
.Ltmp2:
0x25: {  	_ = 	snop;
	(pc) =	sbr.rel .LBB2_2-.Ltmp2, $4  }
0x26: {  	_ =	swait.ge [sflag:s18], $0x6400  }
0x27: {  	s24 =	simm.s32 $0xFFFFFFFF;
	[sflag:s18] =	ssyncset.done $0x0  }
0x28: {  	s21 =	smov.u32 s11;
	s22 =	smov.u32 s10;
	[sflag:s18] =	ssyncadd.s32 $0xFFFF9C00  }
0x29: {  	[spmem:s8] =	stream.linear.scatter [tilespmem:s15], [sflag:$0x6], $0x6400, $0x38;
	[tilespmem:$0x1F8B0] =	vst v63  }
.LBB2_3:
0x2a: {  	s25 =	sadd.s32 $0x4, s24  }
0x2b: {  	s26 =	smul.u32 $0xAB, s25;
	_ =	sdelay $0x1  }
0x2c: {  	s26 =	sshrl.u32 s26, $0x9  }
0x2d: {  	s26 =	sand.u32 $0x7F, s26  }
0x2e: {  	s26 =	smul.u32 $0x3, s26;
	_ =	sdelay $0x1  }
0x2f: {  	s25 =	ssub.s32 s25, s26  }
0x30: {  	s25 =	sand.u32 $0xFF, s25  }
0x31: {  	s31 =	smul.u32 $0x640, s25;
	_ =	sdelay $0x1  }
0x32: {  	s25 =	sadd.s32 $0x1, s25;
	s26 =	sshrl.u32 s31, $0x2  }
0x33: {  	[tilespmem:s26], [sflag:s25] =	stream.linear.gather [hbm4b:s22+s3], $0x190, $0x38;
	[tilespmem:$0x1F8B0] =	vst v63  }
.LBB2_4:
0x34: {  	s25 =	sadd.s32 $0x2, s23  }
0x35: {  	s26 =	sand.u32 $0xFF, s25  }
0x36: {  	s26 =	smul.u32 $0xAB, s26;
	_ =	sdelay $0x1  }
0x37: {  	s26 =	sshrl.u32 s26, $0x9  }
0x38: {  	s26 =	smul.u32 $0x3, s26;
	_ =	sdelay $0x1  }
0x39: {  	s25 =	ssub.s32 s25, s26  }
0x3a: {  	s28 =	sand.u32 $0x1, s23;
	s25 =	sand.u32 $0xFF, s25  }
0x3b: {  	s29 =	smul.u32 $0x19000, s28;
	s30 =	sadd.s32 $0x1, s25  }
0x3c: {  	s25 =	smul.u32 $0x640, s25;
	_ =	swait.ge [sflag:s30], $0x190  }
0x3d: {  	s28 =	sor.u32 $0x4, s28;
	s31 =	sshrl.u32 s29, $0x2;
	[sflag:s30] =	ssyncset.done $0x0  }
0x3e: {  	s26 =	sadd.s32 $0x4B0, s31;
	s25 =	sshrl.u32 s25, $0x2;
	[sflag:s30] =	ssyncadd.s32 $0xFFFFFE70  }
0x3f: {  	[tilespmem:s26], [sflag:s28] =	stream.indirect.gather [hbm4b:s4+s12], $0x40, s25, s12, $0xb8;
	[tilespmem:$0x1F8B0] =	vst v63  }
.LBB2_7:
0x40: {  	s24 =	sadd.s32 $0x2, s24  }
0x41: {  	s25 =	smul.u32 $0xAB, s24;
	_ =	sdelay $0x1  }
0x42: {  	s25 =	sshrl.u32 s25, $0x9  }
0x43: {  	s25 =	sand.u32 $0x7F, s25  }
0x44: {  	s25 =	smul.u32 $0x3, s25;
	_ =	sdelay $0x1  }
0x45: {  	s26 =	sand.u32 $0x1, s24;
	s24 =	ssub.s32 s24, s25  }
0x46: {  	s31 =	smul.u32 $0x19000, s26;
	s24 =	sand.u32 $0xFF, s24  }
0x47: {  	p1 =	slt.u32 s23, $0x3F;
	s26 =	sor.u32 $0x4, s26;
	s24 =	smul.u32 $0x190000, s24  }
.Ltmp3:
0x48: {  	_ =	swait.ge [sflag:s26], $0x6400;
	(pc) =	sbr.rel @!p1 .LBB2_8-.Ltmp3, $4  }
0x49: {  	[sflag:s26] =	ssyncset.done $0x0;
	s25 =	sshrl.u32 s31, $0x2;
	s24 =	sshrl.u32 s24, $0x2  }
0x4a: {  	[sflag:s26] =	ssyncadd.s32 $0xFFFF9C00;
	s25 =	sadd.s32 $0x4B0, s25;
	s24 =	sadd.s32 s24, s8  }
0x4b: {  	[spmem:s24] =	stream.linear.scatter [tilespmem:s25], [sflag:$0x6], $0x6400, $0x38;
	[tilespmem:$0x1F8B0] =	vst v63  }
0x4c: {  	s22 =	sadd.s32 $0x320, s22;
	s21 =	sadd.s32 $0xC800, s21;
	s24 =	smov.u32 s23  }
.LBB2_2:
0x4d: {  	s25 =	sadd.s32 $0xFFFFFFFF, s24  }
0x4e: {  	s23 =	sshll.u32 s25, $0x18  }
0x4f: {  	s26 =	sshra.s32 s23, $0x1F  }
0x50: {  	s23 =	sadd.s32 $0x1, s24;
	s26 =	sand.u32 $0xF, s26  }
0x51: {  	s28 =	sand.u32 $0xF, s23;
	s26 =	sadd.s32 s26, s25  }
0x52: {  	p1 =	sne.s32 s2, s28;
	s26 =	sand.u32 $0xF0, s26  }
0x53: {  	s25 =	ssub.s32 s25, s26;
	s26 =	smul.u32 @!p1 $0xAB, s23  }
0x54: {  	s25 =	sshll.u32 s25, $0x18  }
0x55: {  	p2 =	slt.u32 s23, $0x2;
	s25 =	sshra.s32 s25, $0x18;
	s26 =	sshrl.u32 @!p1 s26, $0x9  }
0x56: {  	p3 =	sne.s32 @!p2 s2, s25;
	s25 =	sand.u32 @!p1 $0x7F, s26  }
0x57: {  	p2 =	por p3, p2;
	s25 =	smul.u32 @!p1 $0x3, s25  }
0x58: {  	s26 =	simm.s32 @!p2 $0x7  }
0x59: {  	_ =	swait.ge @!p2 [sflag:s26], $0xC800;
	s25 =	ssub.s32 @!p1 s23, s25  }
0x5a: {  	[sflag:s26] =	ssyncset.done @!p2 $0x0;
	s25 =	sand.u32 @!p1 $0xFF, s25  }
0x5b: {  	[sflag:s26] =	ssyncadd.s32 @!p2 $0xFFFF3800;
	s25 =	smul.u32 @!p1 $0x190000, s25  }
0x5c: {  	_ =	swait.ge [sflag:s19], $0x6400  }
0x5d: {  	[sflag:s19] =	ssyncset.done $0x0;
	s25 =	sshrl.u32 @!p1 s25, $0x2  }
0x5e: {  	s26 =	sshll.u32 @!p1 s2, $0x6;
	[sflag:s19] =	ssyncadd.s32 $0xFFFF9C00;
	s25 =	sadd.s32 @!p1 s25, s1  }
0x5f: {  	s26 =	sor.u32 @!p1 $0x1C07, s26;
	[bflag:$0x0] =	sbarrier.arrive $0xFFFF;
	s25 =	sshrl.u32 @!p1 s25, $0x3  }
0x60: {  	[hbm:s21], [sflag:s26] =	dma.local @!p1 [spmem:s25], $0xC800  }
0x61: {  	p1 =	sgt.u32 s23, $0x3C  }
.Ltmp4:
0x62: {  	_ = 	snop;
	(pc) =	sbr.rel @!p1 .LBB2_3-.Ltmp4, $1  }
0x63: {  	_ =	sdelay $0x3  }
0x64: {  	p1 =	seq.s32 s23, $0x3D  }
.Ltmp5:
0x65: {  	_ = 	snop;
	(pc) =	sbr.rel @p1 .LBB2_4-.Ltmp5, $1  }
0x66: {  	_ =	sdelay $0x3  }
0x67: {  	p1 =	seq.s32 s23, $0x3F  }
.Ltmp6:
0x68: {  	_ = 	snop;
	(pc) =	sbr.rel @!p1 .LBB2_7-.Ltmp6, $4  }
.Ltmp7:
0x69: {  	_ = 	snop;
	(pc) =	sbr.rel @p1 .LBB2_8-.Ltmp7, $4  }
0x6a: {  	_ = 	snop  }
0x6b: {  	_ = 	snop  }
0x6c: {  	_ = 	snop  }
0x6d: {  	_ = 	snop  }
.LBB2_9:
0x6e: {  	_ =	sfence.sel $0x180000  }
0x6f: {  	[bflag:$0x0] =	sbarrier.arrive $0xFFFF  }
0x70: {  	p0 =	sne.s32 s2, $0x0;
	_ =	strace $0x90000047  }
0x71: {  	s0 =	sadd.s32 @!p0 $0x100000, s0;
	[bflag:$0x2] =	sbarrier.arrive $0xFFFF  }
0x72: {  	[sflag:s0] =	ssyncadd.tile.s32 @!p0 $0x1;
	_ =	shalt  }
.Lfunc_end2:
_tile_overlayer_lowered:
.L_overlay_start_2:
0x73: {  	(tag) =	ssettag $0x2  }
0x74: {  	s0 =	rddreg [dreg:$0x0];
	s2 =	stileid.u32  }
0x75: {  	s1 =	rddreg [dreg:$0x1];
	p0 =	sne.s32 s2, $0x0  }
0x76: {  	s3 =	rddreg [dreg:$0x2];
	[bflag:$0x3] =	sbarrier.arrive $0xFFFF;
	s2 =	simm.s32 @!p0 $0x1C08  }
0x77: {  	[timem:s3], [sflag:s2] =	dma.local @!p0 [hbm:s0], s1  }
0x78: {  	s0 =	simm.s32 @!p0 $0x8  }
0x79: {  	_ =	swait.ge @!p0 [sflag:s0], s1  }
0x7a: {  	s1 =	ssub.s32 @!p0 $0x0, s1;
	[sflag:s0] =	ssyncset.done @!p0 $0x0  }
0x7b: {  	[sflag:s0] =	ssyncadd.s32 @!p0 s1  }
0x7c: {  	[bflag:$0x3] =	sbarrier.arrive $0xFFFF  }
0x7d: {  	_ =	shalt  }

// kernel: sparse-core-data-format-call.cloned.1.call-start
scs
called_computation_lowered:
.L_overlay_start_0:
0x0: {  	s2 =	sld [smem:$0x3FD9]  }
0x1: {  	s3 =	sld [smem:$0x3FFE];
	_ =	sdelay $0x1  }
0x2: {  	s1 =	srdreg.scid  }
0x3: {  	s0 =	sand.u32 $0x1, s1  }
0x4: {  	s18 =	sshll.u32 s0, $0xA;
	s2 =	sadd.s32 s3, s2  }
0x5: {  	s2 =	sadd.s32 s2, s18  }
0x6: {  	[smem:$0x3FC6] =	sst s2  }
0x7: {  	_ = 	snop  }
0x8: {  	s2 =	sld [smem:$0x3FD0];
	(tm) =	ssettm $0x1  }
0x9: {  	s19 =	sld [smem:$0x3FFB];
	_ =	sdelay $0x3  }
0xa: {  	_ =	strace s19  }
0xb: {  	s3 =	sld [smem:$0x3FFC];
	_ =	sdelay $0x3  }
0xc: {  	_ =	strace s3  }
0xd: {  	s3 =	sld [smem:$0x3FFD];
	_ =	sdelay $0x3  }
0xe: {  	_ =	strace s3  }
0xf: {  	_ =	strace $0x8FFFFFFF  }
0x10: {  	s20 =	sld [smem:$0x3FDB];
	_ =	sdelay $0x1  }
0x11: {  	s4 =	simm.s32 $_scs_section_size  }
0x12: {  	s5 =	simm.s32 $_size__tile_overlayer_lowered;
	s6 =	simm.s32 $_tile_overlayer_lowered  }
0x13: {  	s23 =	simm.s32 $0x1BFF;
	s22 =	sshll.u32 s6, $0x1;
	s3 =	sadd.s32 s4, s20  }
0x14: {  	s7 =	simm.s32 $0x0;
	s21 =	sshll.u32 s5, $0x1;
	s5 =	sadd.s32 s22, s3  }
0x15: {  	[timem:s7], [sflag:s23] =	dma.local [hbm:s5], s21  }
0x16: {  	_ =	swait.ge [sflag:s23], s21  }
0x17: {  	s4 =	ssub.s32 $0x0, s21;
	[sflag:s23] =	ssyncset.done $0x0  }
0x18: {  	[sflag:s23] =	ssyncadd.s32 s4;
	_ =	sdelay $0x1  }
0x19: {  	s24 =	simm.s32 $0x1B8B  }
0x1a: {  	_ =	swait.ge [sflag:s24], $0x1  }
0x1b: {  	[sflag:s24] =	ssyncset.done $0x0  }
0x1c: {  	s26 =	simm.s32 $0x1B8E;
	s25 =	sld [smem:$0x3FFE];
	[sflag:s24] =	ssyncadd.s32 $0xFFFFFFFF  }
0x1d: {  	s27 =	simm.s32 $execute0_lowered;
	[smem:$0x3FD2] =	sst s26  }
0x1e: {  	s5 =	sshll.u32 s27, $0x1;
	_ =	strace $0x80000049;
	[dreg:$0x1] =	wrdreg $0xFFFFFFFF  }
0x1f: {  	s28 =	simm.s32 $_size_execute0_lowered;
	s3 =	sadd.s32 s3, s5;
	[dreg:$0x0] =	wrdreg $0x0  }
0x20: {  	s5 =	sshll.u32 s28, $0x1;
	[dreg:$0x2] =	wrdreg s3  }
0x21: {  	[dreg:$0x3] =	wrdreg s5  }
0x22: {  	[dreg:$0x4] =	wrdreg $0xC0  }
0x23: {  	_ =	task [dreg:s7], $0x5FFFF  }
0x24: {  	[dreg:$0x1] =	wrdreg $0xFFFFFFFF  }
0x25: {  	[dreg:$0x0] =	wrdreg $0x60  }
0x26: {  	[dreg:$0x2] =	wrdreg s25  }
0x27: {  	[dreg:$0x3] =	wrdreg s2  }
0x28: {  	[dreg:$0x4] =	wrdreg $0x9  }
0x29: {  	_ =	task.clear_ibuf [dreg:s7], $0x5FFFF;
	_ =	strace $0x90000049  }
0x2a: {  	s29 =	simm.s32 $0x9;
	_ =	strace $0x8000004B  }
0x2b: {  	_ =	swait.ge [sflag:s29], $0x1  }
0x2c: {  	[sflag:s29] =	ssyncadd.s32 $0xFFFFFFFF  }
0x2d: {  	_ =	strace $0x9000004B  }
0x2e: {  	_ =	sfence  }
0x2f: {  	s30 =	sld [smem:$0x0];
	_ =	sdelay $0x2  }
0x30: {  	s31 =	sshll.u32 s1, $0xD;
	s1 =	sshrl.u32 s1, $0x2  }
0x31: {  	s3 =	sand.u32 $0x4000, s31;
	s1 =	sadd.s32 s1, s30  }
0x32: {  	s0 =	sor.u32 s3, s0;
	s1 =	sshll.u32 s1, $0x11  }
0x33: {  	s0 =	sor.u32 s1, s0  }
0x34: {  	s0 =	sadd.s32 $0x8F2B, s0  }
0x35: {  	[sflag:s0] =	ssyncadd.remote.s32 $0x1  }
0x36: {  	_ =	sfence.sel $0xFFFF  }
0x37: {  	[dreg:$0x0] =	wrdreg $0xFFFFFFFF;
	(pc) =	sbr.abs _section_cstart, $3  }
0x38: {  	[dreg:$0x1] =	wrdreg $0xFFFFFFFF  }
0x39: {  	_ =	task.clear_ibuf [dreg:s7], $0x2FFFF;
	_ =	strace $0x9FFFFFFF  }
0x3a: {  	(tm) =	ssettm $0x7FFFFFFF  }
0x3b: {  	_ =	shalt  }
tec
execute0_lowered:
.L_overlay_start_1:
0x0: {  	(tag) =	ssettag $0x1  }
0x1: {  	s0 =	srdreg.scid  }
0x2: {  	s1 =	sshll.u32 s0, $0x4  }
0x3: {  	s0 =	stileid.u32;
	s1 =	sand.u32 $0x10, s1  }
0x4: {  	s1 =	sor.u32 s0, s1  }
0x5: {  	s6 =	rddreg [dreg:$0x0];
	s4 =	simm.s32 $0x1;
	s2 =	sshll.u32 s1, $0x7  }
0x6: {  	s7 =	simm.s32 $0x2;
	s12 =	simm.s32 $0x0;
	s1 =	ssub.s32 $0x1000, s2  }
0x7: {  	s8 =	simm.s32 $0x8000;
	s13 =	simm.s32 $0x0;
	s3 =	sand.u32 $0xF80, s1  }
0x8: {  	s9 =	simm.s32 $0x0;
	s5 =	sshrl.u32 s1, $0xC;
	p0 =	sne.s32 s3, $0x0  }
.Ltmp0:
0x9: {  	s1 =	rddreg [dreg:$0x2];
	s4 =	simm.s32 @!p0 $0x0;
	(pc) =	sbr.rel .LBB1_1-.Ltmp0, $4  }
0xa: {  	s11 =	simm.s32 $0x0;
	s3 =	rddreg [dreg:$0x1];
	s5 =	sadd.s32 s4, s5  }
0xb: {  	_ =	strace $0x8000004A;
	s4 =	simm.s32 $0x1;
	s5 =	smul.u32 $0xC8, s5  }
0xc: {  	s6 =	sadd.s32 $0x800, s6;
	s10 =	smov.u32 s2;
	[sflag:s4] =	ssyncpa.u1 $0x0  }
0xd: {  	p0 =	por $0x0, $0x0;
	[sflag:s7] =	ssyncpa.u1 $0x0;
	s7 =	sor.u32 $0x1, s5  }
.LBB1_4:
0xe: {  	s16 =	sshll.u32 s13, $0x3;
	s17 =	sand.u32 $0x78, s13  }
0xf: {  	s30 =	sand.u32 $0x7E00, s13;
	s12 =	sshll.u32 s12, $0xF;
	s16 =	sand.u32 $0xC00, s16  }
0x10: {  	[tilespmem:s15+$0x810 ss:$0x81] =	vst.msk $0xffff, v2;
	s31 =	sand.u32 $0x7, s13;
	s16 =	sor.u32 s17, s16;
	s17 =	sadd.s32 s3, s30  }
0x11: {  	[tilespmem:s15+$0x1020 ss:$0x81] =	vst.msk $0xffff, v0;
	s13 =	sshll.u32 s31, $0x12;
	s12 =	sadd.s32 s12, s17;
	s16 =	sshrl.u32 s16, $0x3  }
0x12: {  	[tilespmem:s15+$0x0 ss:$0x81] =	vst.msk $0xffff, v1;
	s13 =	sor.u32 $0x400, s13;
	s12 =	sadd.s32 s16, s12  }
0x13: {  	[hbm4b:s12+s13] =	stream.strided.scatter [tilespmem:s14], [sflag:$0x2], $0x2000, s8, s13, $0x20;
	[tilespmem:$0x8080] =	vst v63  }
.LBB1_5:
0x14: {  	s14 =	sadd.s32 $0x1, s9  }
0x15: {  	s12 =	sadd.s32 $0x1000, s10;
	s16 =	smov.u32 s10;
	p2 =	sgt.s32 s14, $0xC7  }
0x16: {  	s16 =	smov.u32 @p2 s12  }
0x17: {  	s14 =	simm.s32 @p2 $0x0;
	p2 =	sgt.s32 s16, $0xFFF  }
0x18: {  	s16 =	smov.u32 @p2 s2;
	p2 =	sne.s32 s11, s7  }
.Ltmp1:
0x19: {  	p1 =	slt.u32 s11, $0x2;
	(pc) =	sbr.rel @!p2 .LBB1_6-.Ltmp1, $4  }
0x1a: {  	s15 =	simm.s32 @!p1 $0x2  }
0x1b: {  	s13 =	smov.u32 s10;
	p0 =	por !p0, !p0;
	_ =	swait.ge @!p1 [sflag:s15], $0x2000  }
0x1c: {  	s12 =	smov.u32 s9;
	[sflag:s15] =	ssyncset.done @!p1 $0x0;
	s9 =	smov.u32 s14  }
0x1d: {  	s11 =	sadd.s32 $0x1, s11;
	[sflag:s15] =	ssyncadd.s32 @!p1 $0xFFFFE000;
	s10 =	smov.u32 s16  }
.LBB1_1:
0x1e: {  	p1 =	sge.u32 s11, s5  }
0x1f: {  	s14 =	sand.u32 @!p1 $0x1FFFFFF, s9  }
0x20: {  	s15 =	smulhi.u32 @!p1 $0x147AE15, s14;
	_ =	sdelay $0x1  }
0x21: {  	s15 =	smul.u32 @!p1 $0xC8, s15  }
0x22: {  	s16 =	sxor.u32 @!p1 $0xFFFFFFFF, s11;
	s17 =	smul.u32 @!p1 $0xC80, s10  }
0x23: {  	s31 =	sadd.s32 $0xFFFFFFFF, s11;
	s16 =	sshll.u32 @!p1 s16, $0xD;
	s14 =	ssub.s32 @!p1 s14, s15  }
0x24: {  	s15 =	sand.u32 @!p1 $0x2000, s16;
	s16 =	sadd.s32 @!p1 s6, s17;
	s14 =	sshll.u32 @!p1 s14, $0x4  }
0x25: {  	s17 =	simm.s32 @!p1 $0x6400;
	s14 =	sadd.s32 @!p1 s14, s16;
	s16 =	simm.s32 @!p1 $0x40  }
0x26: {  	[tilespmem:s15], [sflag:$0x1] =	stream.strided.gather @!p1 [hbm4b:s14+s16], $0x2000, s17, s16, $0x38;
	[tilespmem:$0x8080] =	vst v63  }
0x27: {  	p1 =	sge.u32 s31, s5  }
.Ltmp2:
0x28: {  	_ = 	snop;
	(pc) =	sbr.rel @p1 .LBB1_5-.Ltmp2, $1  }
0x29: {  	_ =	sdelay $0x3  }
0x2a: {  	s14 =	simm.s32 $0x1  }
0x2b: {  	_ =	swait.ge [sflag:s4], $0x2000;
	s14 =	simm.s32 @!p0 $0x0  }
0x2c: {  	[sflag:s4] =	ssyncset.done $0x0;
	s15 =	sshll.u32 s14, $0xD  }
0x2d: {  	[sflag:s4] =	ssyncadd.s32 $0xFFFFE000;
	s18 =	sor.u32 $0x20, s15  }
0x2e: {  	s14 =	smul.u32 $0x8100, s14;
	v3 =	vld [tilespmem:s18+$0x10]  }
0x2f: {  	s30 =	sand.u32 $0x1, s11;
	v2 =	vld [tilespmem:s18+$0xFFFFFFF0]  }
0x30: {  	s15 =	smul.u32 $0x8100, s30;
	s14 =	sshrl.u32 s14, $0x2;
	v0 =	vld [tilespmem:s18+$0x0]  }
0x31: {  	v1 =	vld [tilespmem:s18+$0xFFFFFFE0];
	s16 =	sor.u32 $0x4000, s14  }
0x32: {  	s31 =	sshrl.u32 s15, $0x2;
	s15 =	sadd.s32 $0x0, s16  }
0x33: {  	s17 =	simm.s32 $0x4;
	s18 =	sadd.s32 $0x40, s18;
	s14 =	sor.u32 $0x4000, s31;
	[tilespmem:s15+$0x1830 ss:$0x81] =	vst.msk $0xffff, v3  }
.LBB1_3:
0x34: {  	v3 =	vld [tilespmem:s18+$0x10];
	p1 =	sne.s32 s17, $0x1FC;
	[tilespmem:s15+$0x810 ss:$0x81] =	vst.msk $0xffff, v2;
	s19 =	smov.u32 s17;
	s17 =	sadd.s32 $0x4, s17  }
.Ltmp3:
0x35: {  	v2 =	vld [tilespmem:s18+$0xFFFFFFF0];
	[tilespmem:s15+$0x1020 ss:$0x81] =	vst.msk $0xffff, v0;
	(pc) =	sbr.rel @p1 .LBB1_3-.Ltmp3, $4  }
0x36: {  	v0 =	vld [tilespmem:s18+$0x0];
	[tilespmem:s15+$0x0 ss:$0x81] =	vst.msk $0xffff, v1  }
0x37: {  	s15 =	sshra.s32 s19, $0x2;
	v1 =	vld [tilespmem:s18+$0xFFFFFFE0]  }
0x38: {  	s15 =	sadd.s32 s15, s16  }
0x39: {  	s18 =	sadd.s32 $0x40, s18;
	[tilespmem:s15+$0x1830 ss:$0x81] =	vst.msk $0xffff, v3  }
.Ltmp4:
0x3a: {  	_ = 	snop;
	(pc) =	sbr.rel .LBB1_4-.Ltmp4, $1  }
0x3b: {  	_ =	sdelay $0x3  }
.LBB1_6:
0x3c: {  	_ =	sfence.sel $0x180000  }
0x3d: {  	s2 =	simm.s32 $0x1;
	[bflag:$0x0] =	sbarrier.arrive $0xFFFF  }
0x3e: {  	s31 =	simm.s32 $0x2;
	[sflag:s2] =	ssyncpa.u1 $0x1  }
0x3f: {  	[sflag:s31] =	ssyncpa.u1 $0x1  }
0x40: {  	p0 =	sne.s32 s0, $0x0;
	_ =	strace $0x9000004A  }
0x41: {  	s0 =	sadd.s32 @!p0 $0x100000, s1;
	[bflag:$0x2] =	sbarrier.arrive $0xFFFF  }
0x42: {  	[sflag:s0] =	ssyncadd.tile.s32 @!p0 $0x1;
	_ =	shalt  }
.Lfunc_end1:
_tile_overlayer_lowered:
.L_overlay_start_2:
0x43: {  	(tag) =	ssettag $0x2  }
0x44: {  	s0 =	rddreg [dreg:$0x0];
	s2 =	stileid.u32  }
0x45: {  	s1 =	rddreg [dreg:$0x1];
	p0 =	sne.s32 s2, $0x0  }
0x46: {  	s3 =	rddreg [dreg:$0x2];
	[bflag:$0x3] =	sbarrier.arrive $0xFFFF;
	s2 =	simm.s32 @!p0 $0x1C01  }
0x47: {  	[timem:s3], [sflag:s2] =	dma.local @!p0 [hbm:s0], s1  }
0x48: {  	s0 =	simm.s32 @!p0 $0x1  }
0x49: {  	_ =	swait.ge @!p0 [sflag:s0], s1  }
0x4a: {  	s1 =	ssub.s32 @!p0 $0x0, s1;
	[sflag:s0] =	ssyncset.done @!p0 $0x0  }
0x4b: {  	[sflag:s0] =	ssyncadd.s32 @!p0 s1  }
0x4c: {  	[bflag:$0x3] =	sbarrier.arrive $0xFFFF  }
0x4d: {  	_ =	shalt  }

</sc_bundles>
